<compile_context>
chip_gen: v7x
topology: tpu7x:2x2x1
jax: 0.10.2.dev20260603
libtpu: 0.0.44.dev20260713+nightly
codegen_flags: <defaults>
</compile_context>

<pallas_src>
import functools

import jax
import jax.numpy as jnp
from jax import lax
from jax.experimental import pallas as pl
from jax.experimental.pallas import tpu as pltpu
from jax.experimental.pallas import tpu_sc as plsc

N = 10000
E = 160000
C = 16
HID = 64
H2 = C * C
LAYER_DIM = 154
N_LAYERS = 6
N_GRAPHS = 64

NC = 2
NS = 16
NW = NC * NS
CH = 128
K = 40
EPW = K * CH
EP = NW * EPW
RPT = 640
NACC = NS * RPT

TE = 4096
TN = 2000

_DP = dict(preferred_element_type=jnp.float32, precision=lax.Precision.DEFAULT)
_XP = dict(preferred_element_type=jnp.float32, precision=lax.Precision.HIGHEST)


@functools.cache
def _sc_kernels():
    mesh = plsc.VectorSubcoreMesh(core_axis_name="c", subcore_axis_name="s")

    @functools.partial(
        pl.kernel,
        out_type=jax.ShapeDtypeStruct((EP, C), jnp.float32),
        mesh=mesh,
        compiler_params=pltpu.CompilerParams(use_tc_tiling_on_sc=False),
        scratch_types=[
            pltpu.VMEM((K, CH), jnp.int32),
            pltpu.VMEM((EPW, C), jnp.float32),
            pltpu.SemaphoreType.DMA,
        ],
    )
    def sc_gather(table_hbm, idx_hbm, out_hbm, idx_v, rows_buf, sem):
        cid = lax.axis_index("c")
        sid = lax.axis_index("s")
        wid = sid * NC + cid
        pltpu.sync_copy(idx_hbm.at[wid], idx_v)
        base = wid * EPW

        def fire(j, carry):
            pltpu.async_copy(table_hbm.at[idx_v.at[j]],
                             rows_buf.at[pl.ds(j * CH, CH)], sem)
            return carry

        lax.fori_loop(0, K, fire, 0)
        pltpu.make_async_copy(out_hbm.at[pl.ds(base, EPW)], rows_buf, sem).wait()
        pltpu.sync_copy(rows_buf, out_hbm.at[pl.ds(base, EPW)])

    @functools.partial(
        pl.kernel,
        out_type=jax.ShapeDtypeStruct((NC * NACC, C), jnp.float32),
        mesh=mesh,
        compiler_params=pltpu.CompilerParams(use_tc_tiling_on_sc=False),
        scratch_types=[
            pltpu.VMEM((K, CH), jnp.int32),
            pltpu.VMEM((EPW, C), jnp.float32),
            pltpu.VMEM_SHARED((NACC, C), jnp.float32),
            pltpu.SemaphoreType.DMA,
            pltpu.SemaphoreType.DMA,
        ],
    )
    def sc_scatter(msg_hbm, dst_hbm, zeros_hbm, out_hbm,
                   idx_v, msg_buf, acc_sh, sem, sem2):
        cid = lax.axis_index("c")
        sid = lax.axis_index("s")
        wid = sid * NC + cid
        pltpu.sync_copy(zeros_hbm, acc_sh.at[pl.ds(sid * RPT, RPT)])
        pltpu.sync_copy(dst_hbm.at[wid], idx_v)
        base = wid * EPW
        pltpu.sync_copy(msg_hbm.at[pl.ds(base, EPW)], msg_buf)
        plsc.subcore_barrier()

        def fire(j, carry):
            pltpu.async_copy(msg_buf.at[pl.ds(j * CH, CH)],
                             acc_sh.at[idx_v.at[j]], sem, add=True)
            return carry

        lax.fori_loop(0, K, fire, 0)
        pltpu.make_async_copy(msg_hbm.at[pl.ds(base, EPW)], msg_buf, sem).wait()
        plsc.subcore_barrier()
        pltpu.sync_copy(
            acc_sh.at[pl.ds(sid * RPT, RPT)],
            out_hbm.at[pl.ds(cid * NACC + sid * RPT, RPT)],
        )

    return sc_gather, sc_scatter


def _msg_body(ea_ref, xs_ref, w1_ref, b1_ref, w2_ref, b2_ref, o_ref):
    h1 = jnp.maximum(jnp.dot(ea_ref[...], w1_ref[...], **_DP) + b1_ref[...], 0.0)
    hw = jnp.dot(h1, w2_ref[...], **_DP) + b2_ref[...]
    row = lax.broadcasted_iota(jnp.int32, (C, H2), 0)
    col = lax.broadcasted_iota(jnp.int32, (C, H2), 1)
    sel_r = jnp.where(col // C == row, 1.0, 0.0).astype(jnp.float32)
    xe = jnp.dot(xs_ref[...], sel_r, **_DP)
    prod = xe * hw.astype(jnp.bfloat16).astype(jnp.float32)
    p_hi = prod.astype(jnp.bfloat16).astype(jnp.float32)
    p_lo = prod - p_hi
    cc = lax.broadcasted_iota(jnp.int32, (H2, C), 0)
    oo = lax.broadcasted_iota(jnp.int32, (H2, C), 1)
    sel_s = jnp.where(cc % C == oo, 1.0, 0.0).astype(jnp.float32)
    o_ref[...] = (jnp.dot(p_hi, sel_s, **_DP)
                  + jnp.dot(p_lo, sel_s, **_DP))


_msg_call = pl.pallas_call(
    _msg_body,
    grid=(EP // TE,),
    in_specs=[
        pl.BlockSpec((TE, C), lambda j: (j, 0)),
        pl.BlockSpec((TE, C), lambda j: (j, 0)),
        pl.BlockSpec((C, HID), lambda j: (0, 0)),
        pl.BlockSpec((1, HID), lambda j: (0, 0)),
        pl.BlockSpec((HID, H2), lambda j: (0, 0)),
        pl.BlockSpec((1, H2), lambda j: (0, 0)),
    ],
    out_specs=pl.BlockSpec((TE, C), lambda j: (j, 0)),
    out_shape=jax.ShapeDtypeStruct((EP, C), jnp.float32),
)


def _combine_body(p0_ref, p1_ref, x_ref, root_ref, bias_ref, o_ref):
    o_ref[...] = (p0_ref[...] + p1_ref[...]
                  + jnp.dot(x_ref[...], root_ref[...], **_DP) + bias_ref[...])


_combine_call = pl.pallas_call(
    _combine_body,
    grid=(N // TN,),
    in_specs=[
        pl.BlockSpec((TN, C), lambda j: (j, 0)),
        pl.BlockSpec((TN, C), lambda j: (j, 0)),
        pl.BlockSpec((TN, C), lambda j: (j, 0)),
        pl.BlockSpec((C, C), lambda j: (0, 0)),
        pl.BlockSpec((1, C), lambda j: (0, 0)),
    ],
    out_specs=pl.BlockSpec((TN, C), lambda j: (j, 0)),
    out_shape=jax.ShapeDtypeStruct((N, C), jnp.float32),
)


def _pool_body(p0_ref, p1_ref, x_ref, root_ref, bias_ref, batch_ref, o_ref):
    j = pl.program_id(0)
    xx = (p0_ref[...] + p1_ref[...]
          + jnp.dot(x_ref[...], root_ref[...], **_DP) + bias_ref[...])
    b = batch_ref[0]
    g = lax.broadcasted_iota(jnp.int32, (N_GRAPHS, TN), 0)
    oh = jnp.where(g == b, 1.0, 0.0).astype(jnp.float32)
    part = jnp.dot(oh, xx, **_XP)

    @pl.when(j == 0)
    def _():
        o_ref[...] = part

    @pl.when(j != 0)
    def _():
        o_ref[...] = o_ref[...] + part


_pool_call = pl.pallas_call(
    _pool_body,
    grid=(N // TN,),
    in_specs=[
        pl.BlockSpec((TN, C), lambda j: (j, 0)),
        pl.BlockSpec((TN, C), lambda j: (j, 0)),
        pl.BlockSpec((TN, C), lambda j: (j, 0)),
        pl.BlockSpec((C, C), lambda j: (0, 0)),
        pl.BlockSpec((1, C), lambda j: (0, 0)),
        pl.BlockSpec((1, 1, TN), lambda j: (j, 0, 0)),
    ],
    out_specs=pl.BlockSpec((N_GRAPHS, C), lambda j: (0, 0)),
    out_shape=jax.ShapeDtypeStruct((N_GRAPHS, C), jnp.float32),
)


def _head_body(pooled_ref, lw_ref, lb_ref, w1s_ref, b1s_ref, w2s_ref, b2s_ref,
               sw_ref, sb_ref, rw_ref, rb_ref, o_size_ref, o_rse_ref):
    out = jnp.dot(pooled_ref[...], lw_ref[...], **_DP) + lb_ref[...]
    for li in range(N_LAYERS):
        h = jnp.maximum(jnp.dot(out, w1s_ref[li], **_DP) + b1s_ref[li], 0.0)
        h = jnp.dot(h, w2s_ref[li], **_DP) + b2s_ref[li]
        out = out + h
    o_size_ref[...] = jnp.dot(out, sw_ref[...], **_DP) + sb_ref[...]
    o_rse_ref[...] = jnp.dot(out, rw_ref[...], **_DP) + rb_ref[...]


_head_call = pl.pallas_call(
    _head_body,
    out_shape=(
        jax.ShapeDtypeStruct((N_GRAPHS, 7), jnp.float32),
        jax.ShapeDtypeStruct((N_GRAPHS, 1), jnp.float32),
    ),
)


def kernel(x, edge_index, edge_attr, batch, params):
    f32 = jnp.float32
    src = edge_index[0]
    dst = edge_index[1]
    pad = EP - E
    src_p = jnp.concatenate([src, jnp.zeros((pad,), jnp.int32)]).reshape(NW, K, CH)
    sink = N + (jnp.arange(pad, dtype=jnp.int32) % (NACC - N))
    dst_p = jnp.concatenate([dst, sink]).reshape(NW, K, CH)
    ea_p = jnp.concatenate([edge_attr, jnp.zeros((pad, C), f32)], axis=0)
    zeros_tile = jnp.zeros((RPT, C), f32)
    batch3 = batch.reshape(N // TN, 1, TN)

    sc_gather, sc_scatter = _sc_kernels()

    def conv(xin, p):
        xs = sc_gather(xin, src_p)
        msg = _msg_call(ea_p, xs, p["w1"], p["b1"].reshape(1, HID),
                        p["w2"], p["b2"].reshape(1, H2))
        return sc_scatter(msg, dst_p, zeros_tile)

    p1 = params["conv1"]
    parts1 = conv(x, p1)
    x1 = _combine_call(parts1[:NACC], parts1[NACC:], x,
                       p1["root"], p1["bias"].reshape(1, C))

    p2 = params["conv2"]
    parts2 = conv(x1, p2)
    pooled = _pool_call(parts2[:NACC], parts2[NACC:], x1,
                        p2["root"], p2["bias"].reshape(1, C), batch3)

    w1s = jnp.stack([lp["w1"] for lp in params["layers"]])
    b1s = jnp.stack([lp["b1"].reshape(1, LAYER_DIM) for lp in params["layers"]])
    w2s = jnp.stack([lp["w2"] for lp in params["layers"]])
    b2s = jnp.stack([lp["b2"].reshape(1, LAYER_DIM) for lp in params["layers"]])
    size_logits, rse = _head_call(
        pooled, params["lin0"]["w"], params["lin0"]["b"].reshape(1, LAYER_DIM),
        w1s, b1s, w2s, b2s,
        params["size"]["w"], params["size"]["b"].reshape(1, 7),
        params["rse"]["w"], params["rse"]["b"].reshape(1, 1),
    )
    return (size_logits, rse)

# --- scband reference (transcript-rebuilt; emitter-appended) ---
"""Pipeline reference for scband-gnn-25383256719866 (READ-ONLY COPY).

The authoritative reference and input builder live on the scoring server;
editing this copy changes nothing except your own understanding.
"""

import jax, jax.numpy as jnp
import numpy as np

N = 10000
E = 160000
IN_C = 16
OUT_C = 16
EDGE_DIM = 16
HIDDEN = 64
LAYER_DIM = 154
N_LAYERS = 6
N_GRAPHS = 64


def _init_linear(key, fan_in, fan_out):
    w = jax.random.normal(key, (fan_in, fan_out), jnp.float32) * (1.0 / np.sqrt(fan_in))
    b = jnp.zeros((fan_out,), jnp.float32)
    return w, b


def setup_inputs(seed: int = 0) -> dict:
    key = jax.random.key(seed)
    ks = jax.random.split(key, 24)
    x = jax.random.normal(ks[0], (N, IN_C), jnp.float32)
    edge_index = jax.random.randint(ks[1], (2, E), 0, N, dtype=jnp.int32)
    edge_attr = jax.random.normal(ks[2], (E, EDGE_DIM), jnp.float32)
    batch = jnp.sort(jax.random.randint(ks[3], (N,), 0, N_GRAPHS, dtype=jnp.int32))

    def conv_params(k):
        k1, k2, k3 = jax.random.split(k, 3)
        w1, b1 = _init_linear(k1, EDGE_DIM, HIDDEN)
        w2, b2 = _init_linear(k2, HIDDEN, IN_C * OUT_C)
        root = jax.random.normal(k3, (IN_C, OUT_C), jnp.float32) * (1.0 / np.sqrt(IN_C))
        bias = jnp.zeros((OUT_C,), jnp.float32)
        return {"w1": w1, "b1": b1, "w2": w2, "b2": b2, "root": root, "bias": bias}

    layers = []
    for i in range(N_LAYERS):
        ka, kb = jax.random.split(ks[6 + i], 2)
        wa, ba = _init_linear(ka, LAYER_DIM, LAYER_DIM)
        wb, bb = _init_linear(kb, LAYER_DIM, LAYER_DIM)
        layers.append({"w1": wa, "b1": ba, "w2": wb, "b2": bb})
    lw0, lb0 = _init_linear(ks[4], OUT_C, LAYER_DIM)
    sw, sb = _init_linear(ks[12], LAYER_DIM, 7)
    rw, rb = _init_linear(ks[13], LAYER_DIM, 1)
    params = {
        "conv1": conv_params(ks[14]),
        "conv2": conv_params(ks[15]),
        "lin0": {"w": lw0, "b": lb0},
        "layers": layers,
        "size": {"w": sw, "b": sb},
        "rse": {"w": rw, "b": rb},
    }
    return {"x": x, "edge_index": edge_index, "edge_attr": edge_attr, "batch": batch, "params": params}


def _nnconv(x, edge_index, edge_attr, p):
    # edge-conditioned weights: MLP(edge_attr) -> [E, in, out]
    h = jax.nn.relu(edge_attr @ p["w1"] + p["b1"]) @ p["w2"] + p["b2"]
    W = h.reshape(-1, IN_C, OUT_C)
    src = edge_index[0]
    dst = edge_index[1]
    msg = jnp.einsum("ei,eio->eo", x[src], W)
    agg = jax.ops.segment_sum(msg, dst, num_segments=x.shape[0])
    return agg + x @ p["root"] + p["bias"]


def reference(x, edge_index, edge_attr, batch, params):
    out = _nnconv(x, edge_index, edge_attr, params["conv1"])
    out = _nnconv(out, edge_index, edge_attr, params["conv2"])
    out = jax.ops.segment_sum(out, batch, num_segments=N_GRAPHS)
    out = out @ params["lin0"]["w"] + params["lin0"]["b"]
    for lp in params["layers"]:
        h = jax.nn.relu(out @ lp["w1"] + lp["b1"]) @ lp["w2"] + lp["b2"]
        out = h + out
    size_logits = out @ params["size"]["w"] + params["size"]["b"]
    rse = out @ params["rse"]["w"] + params["rse"]["b"]
    return (size_logits, rse)

if __name__ == "__main__":
    import jax
    _d = setup_inputs()
    print(jax.jit(kernel)(*tuple(_d.values())))

</pallas_src>

<mosaic_0001>
#map = affine_map<(d0, d1) -> (0, 0)>
#map1 = affine_map<(d0, d1) -> (0, 0, 0)>
module attributes {stable_mosaic.version = 14 : i64} {
  func.func @sc_gather(%arg0: i32, %arg1: i32, %arg2: memref<10000x16xf32, #tpu.memory_space<hbm>>, %arg3: memref<32x40x128xi32, #tpu.memory_space<hbm>>, %arg4: memref<163840x16xf32, #tpu.memory_space<hbm>>, %arg5: memref<40x128xi32, #tpu.memory_space<vmem>>, %arg6: memref<5120x16xf32, #tpu.memory_space<vmem>>, %arg7: memref<!tpu.dma_semaphore, #tpu.memory_space<semaphore_mem>>) attributes {dimension_semantics = [#tpu.dimension_semantics<core_parallel>, #tpu.dimension_semantics<subcore_parallel>], iteration_bounds = array<i64: 2, 16>, scalar_prefetch = 0 : i64, scratch_operands = 3 : i64, tpu.core_type = #tpu.core_type<sc_vector_subcore>, window_params = [{transform_indices = #map}, {transform_indices = #map1}, {transform_indices = #map}]} {
    %mul3A = arith.constant 2 : i32
    %mul3A_0 = arith.muli %arg1, %mul3A : i32
    %add3A = arith.addi %mul3A_0, %arg0 : i32
    "tpu.region"() ({
      %run_scoped3A = tpu.sem_alloc : memref<!tpu.dma_semaphore, #tpu.memory_space<semaphore_mem>>
      %dma_start3A = arith.constant 0 : i32
      %dma_start3A_11 = arith.constant 0 : i32
      %dma_start3A_12 = tpu.memref_slice %arg3[%add3A, %dma_start3A, %dma_start3A_11] : memref<32x40x128xi32, #tpu.memory_space<hbm>> -> memref<1x40x128xi32, #tpu.memory_space<hbm>>
      %dma_start3A_13 = tpu.memref_squeeze %dma_start3A_12 : memref<1x40x128xi32, #tpu.memory_space<hbm>> -> memref<40x128xi32, #tpu.memory_space<hbm>>
      %dma_start3A_14 = arith.constant 0 : i32
      %dma_start3A_15 = arith.constant 0 : i32
      %dma_start3A_16 = tpu.memref_slice %arg3[%add3A, %dma_start3A_14, %dma_start3A_15] : memref<32x40x128xi32, #tpu.memory_space<hbm>> -> memref<1x40x128xi32, #tpu.memory_space<hbm>>
      %dma_start3A_17 = tpu.memref_squeeze %dma_start3A_16 : memref<1x40x128xi32, #tpu.memory_space<hbm>> -> memref<40x128xi32, #tpu.memory_space<hbm>>
      tpu.enqueue_dma source(%dma_start3A_17 : memref<40x128xi32, #tpu.memory_space<hbm>>) target(%arg5 : memref<40x128xi32, #tpu.memory_space<vmem>>) target_semaphore(%run_scoped3A : memref<!tpu.dma_semaphore, #tpu.memory_space<semaphore_mem>>)
      %dma_wait3A_18 = arith.constant 0 : i32
      %dma_wait3A_19 = arith.constant 0 : i32
      %dma_wait3A_20 = tpu.memref_slice %arg3[%add3A, %dma_wait3A_18, %dma_wait3A_19] : memref<32x40x128xi32, #tpu.memory_space<hbm>> -> memref<1x40x128xi32, #tpu.memory_space<hbm>>
      %dma_wait3A_21 = tpu.memref_squeeze %dma_wait3A_20 : memref<1x40x128xi32, #tpu.memory_space<hbm>> -> memref<40x128xi32, #tpu.memory_space<hbm>>
      %dma_wait3A_22 = arith.constant 0 : i32
      %dma_wait3A_23 = arith.constant 0 : i32
      %dma_wait3A_24 = tpu.memref_slice %arg3[%add3A, %dma_wait3A_22, %dma_wait3A_23] : memref<32x40x128xi32, #tpu.memory_space<hbm>> -> memref<1x40x128xi32, #tpu.memory_space<hbm>>
      %dma_wait3A_25 = tpu.memref_squeeze %dma_wait3A_24 : memref<1x40x128xi32, #tpu.memory_space<hbm>> -> memref<40x128xi32, #tpu.memory_space<hbm>>
      tpu.wait_dma2 semaphore(%run_scoped3A : memref<!tpu.dma_semaphore, #tpu.memory_space<semaphore_mem>>) src(%dma_wait3A_25 : memref<40x128xi32, #tpu.memory_space<hbm>>) dst(%arg5 : memref<40x128xi32, #tpu.memory_space<vmem>>)
      tpu.yield
    }) : () -> ()
    %mul3A_1 = arith.constant 5120 : i32
    %mul3A_2 = arith.muli %add3A, %mul3A_1 : i32
    %scan3A = arith.constant 0 : i32
    %scan3A_3 = arith.constant 0 : i32
    %scan3A_4 = arith.constant 40 : i32
    %scan3A_5 = arith.addi %scan3A_3, %scan3A_4 : i32
    %scan3A_6 = arith.constant 1 : i32
    scf.for %scan3A_11 = %scan3A_3 to %scan3A_5 step %scan3A_6  : i32 {
      %mul3A_12 = arith.constant 128 : i32
      %mul3A_13 = arith.muli %scan3A_11, %mul3A_12 : i32
      %dma_start3A = arith.constant 0 : i32
      %dma_start3A_14 = tpu.memref_slice %arg6[%mul3A_13, %dma_start3A] : memref<5120x16xf32, #tpu.memory_space<vmem>> -> memref<128x16xf32, #tpu.memory_space<vmem>>
      %dma_start3A_15 = arith.constant 0 : i32
      %dma_start3A_16 = tpu.memref_slice %arg5[%scan3A_11, %dma_start3A_15] : memref<40x128xi32, #tpu.memory_space<vmem>> -> memref<1x128xi32, #tpu.memory_space<vmem>>
      %dma_start3A_17 = tpu.memref_squeeze %dma_start3A_16 : memref<1x128xi32, #tpu.memory_space<vmem>> -> memref<128xi32, #tpu.memory_space<vmem>>
      %dma_start3A_18 = arith.constant 0 : i32
      %dma_start3A_19 = arith.constant 0 : i32
      %dma_start3A_20 = tpu.memref_slice %arg2[%dma_start3A_18, %dma_start3A_19] : memref<10000x16xf32, #tpu.memory_space<hbm>> -> memref<10000x16xf32, #tpu.memory_space<hbm>>
      tpu.enqueue_indirect_dma source(%dma_start3A_20 : memref<10000x16xf32, #tpu.memory_space<hbm>>) target(%dma_start3A_14 : memref<128x16xf32, #tpu.memory_space<vmem>>) offsets(%dma_start3A_17 : memref<128xi32, #tpu.memory_space<vmem>>) semaphore(%arg7 : memref<!tpu.dma_semaphore, #tpu.memory_space<semaphore_mem>>)
    }
    %scan3A_7 = arith.constant 40 : i32
    %dma_wait3A = arith.constant 0 : i32
    %dma_wait3A_8 = tpu.memref_slice %arg4[%mul3A_2, %dma_wait3A] : memref<163840x16xf32, #tpu.memory_space<hbm>> -> memref<5120x16xf32, #tpu.memory_space<hbm>>
    %dma_wait3A_9 = arith.constant 0 : i32
    %dma_wait3A_10 = tpu.memref_slice %arg4[%mul3A_2, %dma_wait3A_9] : memref<163840x16xf32, #tpu.memory_space<hbm>> -> memref<5120x16xf32, #tpu.memory_space<hbm>>
    tpu.wait_dma2 semaphore(%arg7 : memref<!tpu.dma_semaphore, #tpu.memory_space<semaphore_mem>>) src(%dma_wait3A_10 : memref<5120x16xf32, #tpu.memory_space<hbm>>) dst(%arg6 : memref<5120x16xf32, #tpu.memory_space<vmem>>)
    "tpu.region"() ({
      %run_scoped3A = tpu.sem_alloc : memref<!tpu.dma_semaphore, #tpu.memory_space<semaphore_mem>>
      %dma_start3A = arith.constant 0 : i32
      %dma_start3A_11 = tpu.memref_slice %arg4[%mul3A_2, %dma_start3A] : memref<163840x16xf32, #tpu.memory_space<hbm>> -> memref<5120x16xf32, #tpu.memory_space<hbm>>
      %dma_start3A_12 = arith.constant 0 : i32
      %dma_start3A_13 = tpu.memref_slice %arg4[%mul3A_2, %dma_start3A_12] : memref<163840x16xf32, #tpu.memory_space<hbm>> -> memref<5120x16xf32, #tpu.memory_space<hbm>>
      tpu.enqueue_dma source(%arg6 : memref<5120x16xf32, #tpu.memory_space<vmem>>) target(%dma_start3A_13 : memref<5120x16xf32, #tpu.memory_space<hbm>>) target_semaphore(%run_scoped3A : memref<!tpu.dma_semaphore, #tpu.memory_space<semaphore_mem>>)
      %dma_wait3A_14 = arith.constant 0 : i32
      %dma_wait3A_15 = tpu.memref_slice %arg4[%mul3A_2, %dma_wait3A_14] : memref<163840x16xf32, #tpu.memory_space<hbm>> -> memref<5120x16xf32, #tpu.memory_space<hbm>>
      %dma_wait3A_16 = arith.constant 0 : i32
      %dma_wait3A_17 = tpu.memref_slice %arg4[%mul3A_2, %dma_wait3A_16] : memref<163840x16xf32, #tpu.memory_space<hbm>> -> memref<5120x16xf32, #tpu.memory_space<hbm>>
      tpu.wait_dma2 semaphore(%run_scoped3A : memref<!tpu.dma_semaphore, #tpu.memory_space<semaphore_mem>>) src(%arg6 : memref<5120x16xf32, #tpu.memory_space<vmem>>) dst(%dma_wait3A_17 : memref<5120x16xf32, #tpu.memory_space<hbm>>)
      tpu.yield
    }) : () -> ()
    return
  }
}

#map = affine_map<(d0, d1) -> (0, 0)>
#map1 = affine_map<(d0, d1) -> (0, 0, 0)>
module attributes {stable_mosaic.version = 14 : i64} {
  func.func @sc_gather(%arg0: i32, %arg1: i32, %arg2: memref<10000x16xf32, #tpu.memory_space<hbm>>, %arg3: memref<32x40x128xi32, #tpu.memory_space<hbm>>, %arg4: memref<163840x16xf32, #tpu.memory_space<hbm>>, %arg5: memref<40x128xi32, #tpu.memory_space<vmem>>, %arg6: memref<5120x16xf32, #tpu.memory_space<vmem>>, %arg7: memref<!tpu.dma_semaphore, #tpu.memory_space<semaphore_mem>>) attributes {dimension_semantics = [#tpu.dimension_semantics<core_parallel>, #tpu.dimension_semantics<subcore_parallel>], iteration_bounds = array<i64: 2, 16>, scalar_prefetch = 0 : i64, scratch_operands = 3 : i64, tpu.core_type = #tpu.core_type<sc_vector_subcore>, window_params = [{transform_indices = #map}, {transform_indices = #map1}, {transform_indices = #map}]} {
    %mul3A = arith.constant 2 : i32
    %mul3A_0 = arith.muli %arg1, %mul3A : i32
    %add3A = arith.addi %mul3A_0, %arg0 : i32
    "tpu.region"() ({
      %run_scoped3A = tpu.sem_alloc : memref<!tpu.dma_semaphore, #tpu.memory_space<semaphore_mem>>
      %dma_start3A = arith.constant 0 : i32
      %dma_start3A_11 = arith.constant 0 : i32
      %dma_start3A_12 = tpu.memref_slice %arg3[%add3A, %dma_start3A, %dma_start3A_11] : memref<32x40x128xi32, #tpu.memory_space<hbm>> -> memref<1x40x128xi32, #tpu.memory_space<hbm>>
      %dma_start3A_13 = tpu.memref_squeeze %dma_start3A_12 : memref<1x40x128xi32, #tpu.memory_space<hbm>> -> memref<40x128xi32, #tpu.memory_space<hbm>>
      %dma_start3A_14 = arith.constant 0 : i32
      %dma_start3A_15 = arith.constant 0 : i32
      %dma_start3A_16 = tpu.memref_slice %arg3[%add3A, %dma_start3A_14, %dma_start3A_15] : memref<32x40x128xi32, #tpu.memory_space<hbm>> -> memref<1x40x128xi32, #tpu.memory_space<hbm>>
      %dma_start3A_17 = tpu.memref_squeeze %dma_start3A_16 : memref<1x40x128xi32, #tpu.memory_space<hbm>> -> memref<40x128xi32, #tpu.memory_space<hbm>>
      tpu.enqueue_dma source(%dma_start3A_17 : memref<40x128xi32, #tpu.memory_space<hbm>>) target(%arg5 : memref<40x128xi32, #tpu.memory_space<vmem>>) target_semaphore(%run_scoped3A : memref<!tpu.dma_semaphore, #tpu.memory_space<semaphore_mem>>)
      %dma_wait3A_18 = arith.constant 0 : i32
      %dma_wait3A_19 = arith.constant 0 : i32
      %dma_wait3A_20 = tpu.memref_slice %arg3[%add3A, %dma_wait3A_18, %dma_wait3A_19] : memref<32x40x128xi32, #tpu.memory_space<hbm>> -> memref<1x40x128xi32, #tpu.memory_space<hbm>>
      %dma_wait3A_21 = tpu.memref_squeeze %dma_wait3A_20 : memref<1x40x128xi32, #tpu.memory_space<hbm>> -> memref<40x128xi32, #tpu.memory_space<hbm>>
      %dma_wait3A_22 = arith.constant 0 : i32
      %dma_wait3A_23 = arith.constant 0 : i32
      %dma_wait3A_24 = tpu.memref_slice %arg3[%add3A, %dma_wait3A_22, %dma_wait3A_23] : memref<32x40x128xi32, #tpu.memory_space<hbm>> -> memref<1x40x128xi32, #tpu.memory_space<hbm>>
      %dma_wait3A_25 = tpu.memref_squeeze %dma_wait3A_24 : memref<1x40x128xi32, #tpu.memory_space<hbm>> -> memref<40x128xi32, #tpu.memory_space<hbm>>
      tpu.wait_dma2 semaphore(%run_scoped3A : memref<!tpu.dma_semaphore, #tpu.memory_space<semaphore_mem>>) src(%dma_wait3A_25 : memref<40x128xi32, #tpu.memory_space<hbm>>) dst(%arg5 : memref<40x128xi32, #tpu.memory_space<vmem>>)
      tpu.yield
    }) : () -> ()
    %mul3A_1 = arith.constant 5120 : i32
    %mul3A_2 = arith.muli %add3A, %mul3A_1 : i32
    %scan3A = arith.constant 0 : i32
    %scan3A_3 = arith.constant 0 : i32
    %scan3A_4 = arith.constant 40 : i32
    %scan3A_5 = arith.addi %scan3A_3, %scan3A_4 : i32
    %scan3A_6 = arith.constant 1 : i32
    scf.for %scan3A_11 = %scan3A_3 to %scan3A_5 step %scan3A_6  : i32 {
      %mul3A_12 = arith.constant 128 : i32
      %mul3A_13 = arith.muli %scan3A_11, %mul3A_12 : i32
      %dma_start3A = arith.constant 0 : i32
      %dma_start3A_14 = tpu.memref_slice %arg6[%mul3A_13, %dma_start3A] : memref<5120x16xf32, #tpu.memory_space<vmem>> -> memref<128x16xf32, #tpu.memory_space<vmem>>
      %dma_start3A_15 = arith.constant 0 : i32
      %dma_start3A_16 = tpu.memref_slice %arg5[%scan3A_11, %dma_start3A_15] : memref<40x128xi32, #tpu.memory_space<vmem>> -> memref<1x128xi32, #tpu.memory_space<vmem>>
      %dma_start3A_17 = tpu.memref_squeeze %dma_start3A_16 : memref<1x128xi32, #tpu.memory_space<vmem>> -> memref<128xi32, #tpu.memory_space<vmem>>
      %dma_start3A_18 = arith.constant 0 : i32
      %dma_start3A_19 = arith.constant 0 : i32
      %dma_start3A_20 = tpu.memref_slice %arg2[%dma_start3A_18, %dma_start3A_19] : memref<10000x16xf32, #tpu.memory_space<hbm>> -> memref<10000x16xf32, #tpu.memory_space<hbm>>
      tpu.enqueue_indirect_dma source(%dma_start3A_20 : memref<10000x16xf32, #tpu.memory_space<hbm>>) target(%dma_start3A_14 : memref<128x16xf32, #tpu.memory_space<vmem>>) offsets(%dma_start3A_17 : memref<128xi32, #tpu.memory_space<vmem>>) semaphore(%arg7 : memref<!tpu.dma_semaphore, #tpu.memory_space<semaphore_mem>>)
    }
    %scan3A_7 = arith.constant 40 : i32
    %dma_wait3A = arith.constant 0 : i32
    %dma_wait3A_8 = tpu.memref_slice %arg4[%mul3A_2, %dma_wait3A] : memref<163840x16xf32, #tpu.memory_space<hbm>> -> memref<5120x16xf32, #tpu.memory_space<hbm>>
    %dma_wait3A_9 = arith.constant 0 : i32
    %dma_wait3A_10 = tpu.memref_slice %arg4[%mul3A_2, %dma_wait3A_9] : memref<163840x16xf32, #tpu.memory_space<hbm>> -> memref<5120x16xf32, #tpu.memory_space<hbm>>
    tpu.wait_dma2 semaphore(%arg7 : memref<!tpu.dma_semaphore, #tpu.memory_space<semaphore_mem>>) src(%dma_wait3A_10 : memref<5120x16xf32, #tpu.memory_space<hbm>>) dst(%arg6 : memref<5120x16xf32, #tpu.memory_space<vmem>>)
    "tpu.region"() ({
      %run_scoped3A = tpu.sem_alloc : memref<!tpu.dma_semaphore, #tpu.memory_space<semaphore_mem>>
      %dma_start3A = arith.constant 0 : i32
      %dma_start3A_11 = tpu.memref_slice %arg4[%mul3A_2, %dma_start3A] : memref<163840x16xf32, #tpu.memory_space<hbm>> -> memref<5120x16xf32, #tpu.memory_space<hbm>>
      %dma_start3A_12 = arith.constant 0 : i32
      %dma_start3A_13 = tpu.memref_slice %arg4[%mul3A_2, %dma_start3A_12] : memref<163840x16xf32, #tpu.memory_space<hbm>> -> memref<5120x16xf32, #tpu.memory_space<hbm>>
      tpu.enqueue_dma source(%arg6 : memref<5120x16xf32, #tpu.memory_space<vmem>>) target(%dma_start3A_13 : memref<5120x16xf32, #tpu.memory_space<hbm>>) target_semaphore(%run_scoped3A : memref<!tpu.dma_semaphore, #tpu.memory_space<semaphore_mem>>)
      %dma_wait3A_14 = arith.constant 0 : i32
      %dma_wait3A_15 = tpu.memref_slice %arg4[%mul3A_2, %dma_wait3A_14] : memref<163840x16xf32, #tpu.memory_space<hbm>> -> memref<5120x16xf32, #tpu.memory_space<hbm>>
      %dma_wait3A_16 = arith.constant 0 : i32
      %dma_wait3A_17 = tpu.memref_slice %arg4[%mul3A_2, %dma_wait3A_16] : memref<163840x16xf32, #tpu.memory_space<hbm>> -> memref<5120x16xf32, #tpu.memory_space<hbm>>
      tpu.wait_dma2 semaphore(%run_scoped3A : memref<!tpu.dma_semaphore, #tpu.memory_space<semaphore_mem>>) src(%arg6 : memref<5120x16xf32, #tpu.memory_space<vmem>>) dst(%dma_wait3A_17 : memref<5120x16xf32, #tpu.memory_space<hbm>>)
      tpu.yield
    }) : () -> ()
    return
  }
}

#map = affine_map<(d0, d1) -> (0, 0)>
#map1 = affine_map<(d0, d1) -> (0, 0, 0)>
module attributes {stable_mosaic.version = 14 : i64} {
  func.func @sc_scatter(%arg0: i32, %arg1: i32, %arg2: memref<163840x16xf32, #tpu.memory_space<hbm>>, %arg3: memref<32x40x128xi32, #tpu.memory_space<hbm>>, %arg4: memref<640x16xf32, #tpu.memory_space<hbm>>, %arg5: memref<20480x16xf32, #tpu.memory_space<hbm>>, %arg6: memref<40x128xi32, #tpu.memory_space<vmem>>, %arg7: memref<5120x16xf32, #tpu.memory_space<vmem>>, %arg8: memref<10240x16xf32, #tpu.memory_space<vmem_shared>>, %arg9: memref<!tpu.dma_semaphore, #tpu.memory_space<semaphore_mem>>, %arg10: memref<!tpu.dma_semaphore, #tpu.memory_space<semaphore_mem>>) attributes {dimension_semantics = [#tpu.dimension_semantics<core_parallel>, #tpu.dimension_semantics<subcore_parallel>], iteration_bounds = array<i64: 2, 16>, scalar_prefetch = 0 : i64, scratch_operands = 5 : i64, tpu.core_type = #tpu.core_type<sc_vector_subcore>, window_params = [{transform_indices = #map}, {transform_indices = #map1}, {transform_indices = #map}, {transform_indices = #map}]} {
    %mul3A = arith.constant 2 : i32
    %mul3A_0 = arith.muli %arg1, %mul3A : i32
    %add3A = arith.addi %mul3A_0, %arg0 : i32
    %mul3A_1 = arith.constant 640 : i32
    %mul3A_2 = arith.muli %arg1, %mul3A_1 : i32
    "tpu.region"() ({
      %run_scoped3A = tpu.sem_alloc : memref<!tpu.dma_semaphore, #tpu.memory_space<semaphore_mem>>
      %dma_start3A = arith.constant 0 : i32
      %dma_start3A_21 = tpu.memref_slice %arg8[%mul3A_2, %dma_start3A] : memref<10240x16xf32, #tpu.memory_space<vmem_shared>> -> memref<640x16xf32, #tpu.memory_space<vmem_shared>>
      tpu.enqueue_dma source(%arg4 : memref<640x16xf32, #tpu.memory_space<hbm>>) target(%dma_start3A_21 : memref<640x16xf32, #tpu.memory_space<vmem_shared>>) target_semaphore(%run_scoped3A : memref<!tpu.dma_semaphore, #tpu.memory_space<semaphore_mem>>)
      %dma_wait3A_22 = arith.constant 0 : i32
      %dma_wait3A_23 = tpu.memref_slice %arg8[%mul3A_2, %dma_wait3A_22] : memref<10240x16xf32, #tpu.memory_space<vmem_shared>> -> memref<640x16xf32, #tpu.memory_space<vmem_shared>>
      tpu.wait_dma2 semaphore(%run_scoped3A : memref<!tpu.dma_semaphore, #tpu.memory_space<semaphore_mem>>) src(%arg4 : memref<640x16xf32, #tpu.memory_space<hbm>>) dst(%dma_wait3A_23 : memref<640x16xf32, #tpu.memory_space<vmem_shared>>)
      tpu.yield
    }) : () -> ()
    "tpu.region"() ({
      %run_scoped3A = tpu.sem_alloc : memref<!tpu.dma_semaphore, #tpu.memory_space<semaphore_mem>>
      %dma_start3A = arith.constant 0 : i32
      %dma_start3A_21 = arith.constant 0 : i32
      %dma_start3A_22 = tpu.memref_slice %arg3[%add3A, %dma_start3A, %dma_start3A_21] : memref<32x40x128xi32, #tpu.memory_space<hbm>> -> memref<1x40x128xi32, #tpu.memory_space<hbm>>
      %dma_start3A_23 = tpu.memref_squeeze %dma_start3A_22 : memref<1x40x128xi32, #tpu.memory_space<hbm>> -> memref<40x128xi32, #tpu.memory_space<hbm>>
      %dma_start3A_24 = arith.constant 0 : i32
      %dma_start3A_25 = arith.constant 0 : i32
      %dma_start3A_26 = tpu.memref_slice %arg3[%add3A, %dma_start3A_24, %dma_start3A_25] : memref<32x40x128xi32, #tpu.memory_space<hbm>> -> memref<1x40x128xi32, #tpu.memory_space<hbm>>
      %dma_start3A_27 = tpu.memref_squeeze %dma_start3A_26 : memref<1x40x128xi32, #tpu.memory_space<hbm>> -> memref<40x128xi32, #tpu.memory_space<hbm>>
      tpu.enqueue_dma source(%dma_start3A_27 : memref<40x128xi32, #tpu.memory_space<hbm>>) target(%arg6 : memref<40x128xi32, #tpu.memory_space<vmem>>) target_semaphore(%run_scoped3A : memref<!tpu.dma_semaphore, #tpu.memory_space<semaphore_mem>>)
      %dma_wait3A_28 = arith.constant 0 : i32
      %dma_wait3A_29 = arith.constant 0 : i32
      %dma_wait3A_30 = tpu.memref_slice %arg3[%add3A, %dma_wait3A_28, %dma_wait3A_29] : memref<32x40x128xi32, #tpu.memory_space<hbm>> -> memref<1x40x128xi32, #tpu.memory_space<hbm>>
      %dma_wait3A_31 = tpu.memref_squeeze %dma_wait3A_30 : memref<1x40x128xi32, #tpu.memory_space<hbm>> -> memref<40x128xi32, #tpu.memory_space<hbm>>
      %dma_wait3A_32 = arith.constant 0 : i32
      %dma_wait3A_33 = arith.constant 0 : i32
      %dma_wait3A_34 = tpu.memref_slice %arg3[%add3A, %dma_wait3A_32, %dma_wait3A_33] : memref<32x40x128xi32, #tpu.memory_space<hbm>> -> memref<1x40x128xi32, #tpu.memory_space<hbm>>
      %dma_wait3A_35 = tpu.memref_squeeze %dma_wait3A_34 : memref<1x40x128xi32, #tpu.memory_space<hbm>> -> memref<40x128xi32, #tpu.memory_space<hbm>>
      tpu.wait_dma2 semaphore(%run_scoped3A : memref<!tpu.dma_semaphore, #tpu.memory_space<semaphore_mem>>) src(%dma_wait3A_35 : memref<40x128xi32, #tpu.memory_space<hbm>>) dst(%arg6 : memref<40x128xi32, #tpu.memory_space<vmem>>)
      tpu.yield
    }) : () -> ()
    %mul3A_3 = arith.constant 5120 : i32
    %mul3A_4 = arith.muli %add3A, %mul3A_3 : i32
    "tpu.region"() ({
      %run_scoped3A = tpu.sem_alloc : memref<!tpu.dma_semaphore, #tpu.memory_space<semaphore_mem>>
      %dma_start3A = arith.constant 0 : i32
      %dma_start3A_21 = tpu.memref_slice %arg2[%mul3A_4, %dma_start3A] : memref<163840x16xf32, #tpu.memory_space<hbm>> -> memref<5120x16xf32, #tpu.memory_space<hbm>>
      %dma_start3A_22 = arith.constant 0 : i32
      %dma_start3A_23 = tpu.memref_slice %arg2[%mul3A_4, %dma_start3A_22] : memref<163840x16xf32, #tpu.memory_space<hbm>> -> memref<5120x16xf32, #tpu.memory_space<hbm>>
      tpu.enqueue_dma source(%dma_start3A_23 : memref<5120x16xf32, #tpu.memory_space<hbm>>) target(%arg7 : memref<5120x16xf32, #tpu.memory_space<vmem>>) target_semaphore(%run_scoped3A : memref<!tpu.dma_semaphore, #tpu.memory_space<semaphore_mem>>)
      %dma_wait3A_24 = arith.constant 0 : i32
      %dma_wait3A_25 = tpu.memref_slice %arg2[%mul3A_4, %dma_wait3A_24] : memref<163840x16xf32, #tpu.memory_space<hbm>> -> memref<5120x16xf32, #tpu.memory_space<hbm>>
      %dma_wait3A_26 = arith.constant 0 : i32
      %dma_wait3A_27 = tpu.memref_slice %arg2[%mul3A_4, %dma_wait3A_26] : memref<163840x16xf32, #tpu.memory_space<hbm>> -> memref<5120x16xf32, #tpu.memory_space<hbm>>
      tpu.wait_dma2 semaphore(%run_scoped3A : memref<!tpu.dma_semaphore, #tpu.memory_space<semaphore_mem>>) src(%dma_wait3A_27 : memref<5120x16xf32, #tpu.memory_space<hbm>>) dst(%arg7 : memref<5120x16xf32, #tpu.memory_space<vmem>>)
      tpu.yield
    }) : () -> ()
    %barrier3A = arith.constant 0 : index
    tpu.barrier barrier_id(%barrier3A)
    %scan3A = arith.constant 0 : i32
    %scan3A_5 = arith.constant 0 : i32
    %scan3A_6 = arith.constant 40 : i32
    %scan3A_7 = arith.addi %scan3A_5, %scan3A_6 : i32
    %scan3A_8 = arith.constant 1 : i32
    scf.for %scan3A_21 = %scan3A_5 to %scan3A_7 step %scan3A_8  : i32 {
      %mul3A_22 = arith.constant 128 : i32
      %mul3A_23 = arith.muli %scan3A_21, %mul3A_22 : i32
      %dma_start3A = arith.constant 0 : i32
      %dma_start3A_24 = tpu.memref_slice %arg7[%mul3A_23, %dma_start3A] : memref<5120x16xf32, #tpu.memory_space<vmem>> -> memref<128x16xf32, #tpu.memory_space<vmem>>
      %dma_start3A_25 = arith.constant 0 : i32
      %dma_start3A_26 = tpu.memref_slice %arg6[%scan3A_21, %dma_start3A_25] : memref<40x128xi32, #tpu.memory_space<vmem>> -> memref<1x128xi32, #tpu.memory_space<vmem>>
      %dma_start3A_27 = tpu.memref_squeeze %dma_start3A_26 : memref<1x128xi32, #tpu.memory_space<vmem>> -> memref<128xi32, #tpu.memory_space<vmem>>
      %dma_start3A_28 = arith.constant 0 : i32
      %dma_start3A_29 = arith.constant 0 : i32
      %dma_start3A_30 = tpu.memref_slice %arg8[%dma_start3A_28, %dma_start3A_29] : memref<10240x16xf32, #tpu.memory_space<vmem_shared>> -> memref<10240x16xf32, #tpu.memory_space<vmem_shared>>
      tpu.enqueue_indirect_dma source(%dma_start3A_24 : memref<128x16xf32, #tpu.memory_space<vmem>>) target(%dma_start3A_30 : memref<10240x16xf32, #tpu.memory_space<vmem_shared>>) offsets(%dma_start3A_27 : memref<128xi32, #tpu.memory_space<vmem>>) semaphore(%arg9 : memref<!tpu.dma_semaphore, #tpu.memory_space<semaphore_mem>>) {add = true}
    }
    %scan3A_9 = arith.constant 40 : i32
    %dma_wait3A = arith.constant 0 : i32
    %dma_wait3A_10 = tpu.memref_slice %arg2[%mul3A_4, %dma_wait3A] : memref<163840x16xf32, #tpu.memory_space<hbm>> -> memref<5120x16xf32, #tpu.memory_space<hbm>>
    %dma_wait3A_11 = arith.constant 0 : i32
    %dma_wait3A_12 = tpu.memref_slice %arg2[%mul3A_4, %dma_wait3A_11] : memref<163840x16xf32, #tpu.memory_space<hbm>> -> memref<5120x16xf32, #tpu.memory_space<hbm>>
    tpu.wait_dma2 semaphore(%arg9 : memref<!tpu.dma_semaphore, #tpu.memory_space<semaphore_mem>>) src(%dma_wait3A_12 : memref<5120x16xf32, #tpu.memory_space<hbm>>) dst(%arg7 : memref<5120x16xf32, #tpu.memory_space<vmem>>)
    %barrier3A_13 = arith.constant 0 : index
    tpu.barrier barrier_id(%barrier3A_13)
    %mul3A_14 = arith.constant 640 : i32
    %mul3A_15 = arith.muli %arg1, %mul3A_14 : i32
    %mul3A_16 = arith.constant 10240 : i32
    %mul3A_17 = arith.muli %arg0, %mul3A_16 : i32
    %mul3A_18 = arith.constant 640 : i32
    %mul3A_19 = arith.muli %arg1, %mul3A_18 : i32
    %add3A_20 = arith.addi %mul3A_17, %mul3A_19 : i32
    "tpu.region"() ({
      %run_scoped3A = tpu.sem_alloc : memref<!tpu.dma_semaphore, #tpu.memory_space<semaphore_mem>>
      %dma_start3A = arith.constant 0 : i32
      %dma_start3A_21 = tpu.memref_slice %arg5[%add3A_20, %dma_start3A] : memref<20480x16xf32, #tpu.memory_space<hbm>> -> memref<640x16xf32, #tpu.memory_space<hbm>>
      %dma_start3A_22 = arith.constant 0 : i32
      %dma_start3A_23 = tpu.memref_slice %arg8[%mul3A_15, %dma_start3A_22] : memref<10240x16xf32, #tpu.memory_space<vmem_shared>> -> memref<640x16xf32, #tpu.memory_space<vmem_shared>>
      tpu.enqueue_dma source(%dma_start3A_23 : memref<640x16xf32, #tpu.memory_space<vmem_shared>>) target(%dma_start3A_21 : memref<640x16xf32, #tpu.memory_space<hbm>>) target_semaphore(%run_scoped3A : memref<!tpu.dma_semaphore, #tpu.memory_space<semaphore_mem>>)
      %dma_wait3A_24 = arith.constant 0 : i32
      %dma_wait3A_25 = tpu.memref_slice %arg5[%add3A_20, %dma_wait3A_24] : memref<20480x16xf32, #tpu.memory_space<hbm>> -> memref<640x16xf32, #tpu.memory_space<hbm>>
      %dma_wait3A_26 = arith.constant 0 : i32
      %dma_wait3A_27 = tpu.memref_slice %arg8[%mul3A_15, %dma_wait3A_26] : memref<10240x16xf32, #tpu.memory_space<vmem_shared>> -> memref<640x16xf32, #tpu.memory_space<vmem_shared>>
      tpu.wait_dma2 semaphore(%run_scoped3A : memref<!tpu.dma_semaphore, #tpu.memory_space<semaphore_mem>>) src(%dma_wait3A_27 : memref<640x16xf32, #tpu.memory_space<vmem_shared>>) dst(%dma_wait3A_25 : memref<640x16xf32, #tpu.memory_space<hbm>>)
      tpu.yield
    }) : () -> ()
    return
  }
}

#map = affine_map<(d0, d1) -> (0, 0)>
#map1 = affine_map<(d0, d1) -> (0, 0, 0)>
module attributes {stable_mosaic.version = 14 : i64} {
  func.func @sc_scatter(%arg0: i32, %arg1: i32, %arg2: memref<163840x16xf32, #tpu.memory_space<hbm>>, %arg3: memref<32x40x128xi32, #tpu.memory_space<hbm>>, %arg4: memref<640x16xf32, #tpu.memory_space<hbm>>, %arg5: memref<20480x16xf32, #tpu.memory_space<hbm>>, %arg6: memref<40x128xi32, #tpu.memory_space<vmem>>, %arg7: memref<5120x16xf32, #tpu.memory_space<vmem>>, %arg8: memref<10240x16xf32, #tpu.memory_space<vmem_shared>>, %arg9: memref<!tpu.dma_semaphore, #tpu.memory_space<semaphore_mem>>, %arg10: memref<!tpu.dma_semaphore, #tpu.memory_space<semaphore_mem>>) attributes {dimension_semantics = [#tpu.dimension_semantics<core_parallel>, #tpu.dimension_semantics<subcore_parallel>], iteration_bounds = array<i64: 2, 16>, scalar_prefetch = 0 : i64, scratch_operands = 5 : i64, tpu.core_type = #tpu.core_type<sc_vector_subcore>, window_params = [{transform_indices = #map}, {transform_indices = #map1}, {transform_indices = #map}, {transform_indices = #map}]} {
    %mul3A = arith.constant 2 : i32
    %mul3A_0 = arith.muli %arg1, %mul3A : i32
    %add3A = arith.addi %mul3A_0, %arg0 : i32
    %mul3A_1 = arith.constant 640 : i32
    %mul3A_2 = arith.muli %arg1, %mul3A_1 : i32
    "tpu.region"() ({
      %run_scoped3A = tpu.sem_alloc : memref<!tpu.dma_semaphore, #tpu.memory_space<semaphore_mem>>
      %dma_start3A = arith.constant 0 : i32
      %dma_start3A_21 = tpu.memref_slice %arg8[%mul3A_2, %dma_start3A] : memref<10240x16xf32, #tpu.memory_space<vmem_shared>> -> memref<640x16xf32, #tpu.memory_space<vmem_shared>>
      tpu.enqueue_dma source(%arg4 : memref<640x16xf32, #tpu.memory_space<hbm>>) target(%dma_start3A_21 : memref<640x16xf32, #tpu.memory_space<vmem_shared>>) target_semaphore(%run_scoped3A : memref<!tpu.dma_semaphore, #tpu.memory_space<semaphore_mem>>)
      %dma_wait3A_22 = arith.constant 0 : i32
      %dma_wait3A_23 = tpu.memref_slice %arg8[%mul3A_2, %dma_wait3A_22] : memref<10240x16xf32, #tpu.memory_space<vmem_shared>> -> memref<640x16xf32, #tpu.memory_space<vmem_shared>>
      tpu.wait_dma2 semaphore(%run_scoped3A : memref<!tpu.dma_semaphore, #tpu.memory_space<semaphore_mem>>) src(%arg4 : memref<640x16xf32, #tpu.memory_space<hbm>>) dst(%dma_wait3A_23 : memref<640x16xf32, #tpu.memory_space<vmem_shared>>)
      tpu.yield
    }) : () -> ()
    "tpu.region"() ({
      %run_scoped3A = tpu.sem_alloc : memref<!tpu.dma_semaphore, #tpu.memory_space<semaphore_mem>>
      %dma_start3A = arith.constant 0 : i32
      %dma_start3A_21 = arith.constant 0 : i32
      %dma_start3A_22 = tpu.memref_slice %arg3[%add3A, %dma_start3A, %dma_start3A_21] : memref<32x40x128xi32, #tpu.memory_space<hbm>> -> memref<1x40x128xi32, #tpu.memory_space<hbm>>
      %dma_start3A_23 = tpu.memref_squeeze %dma_start3A_22 : memref<1x40x128xi32, #tpu.memory_space<hbm>> -> memref<40x128xi32, #tpu.memory_space<hbm>>
      %dma_start3A_24 = arith.constant 0 : i32
      %dma_start3A_25 = arith.constant 0 : i32
      %dma_start3A_26 = tpu.memref_slice %arg3[%add3A, %dma_start3A_24, %dma_start3A_25] : memref<32x40x128xi32, #tpu.memory_space<hbm>> -> memref<1x40x128xi32, #tpu.memory_space<hbm>>
      %dma_start3A_27 = tpu.memref_squeeze %dma_start3A_26 : memref<1x40x128xi32, #tpu.memory_space<hbm>> -> memref<40x128xi32, #tpu.memory_space<hbm>>
      tpu.enqueue_dma source(%dma_start3A_27 : memref<40x128xi32, #tpu.memory_space<hbm>>) target(%arg6 : memref<40x128xi32, #tpu.memory_space<vmem>>) target_semaphore(%run_scoped3A : memref<!tpu.dma_semaphore, #tpu.memory_space<semaphore_mem>>)
      %dma_wait3A_28 = arith.constant 0 : i32
      %dma_wait3A_29 = arith.constant 0 : i32
      %dma_wait3A_30 = tpu.memref_slice %arg3[%add3A, %dma_wait3A_28, %dma_wait3A_29] : memref<32x40x128xi32, #tpu.memory_space<hbm>> -> memref<1x40x128xi32, #tpu.memory_space<hbm>>
      %dma_wait3A_31 = tpu.memref_squeeze %dma_wait3A_30 : memref<1x40x128xi32, #tpu.memory_space<hbm>> -> memref<40x128xi32, #tpu.memory_space<hbm>>
      %dma_wait3A_32 = arith.constant 0 : i32
      %dma_wait3A_33 = arith.constant 0 : i32
      %dma_wait3A_34 = tpu.memref_slice %arg3[%add3A, %dma_wait3A_32, %dma_wait3A_33] : memref<32x40x128xi32, #tpu.memory_space<hbm>> -> memref<1x40x128xi32, #tpu.memory_space<hbm>>
      %dma_wait3A_35 = tpu.memref_squeeze %dma_wait3A_34 : memref<1x40x128xi32, #tpu.memory_space<hbm>> -> memref<40x128xi32, #tpu.memory_space<hbm>>
      tpu.wait_dma2 semaphore(%run_scoped3A : memref<!tpu.dma_semaphore, #tpu.memory_space<semaphore_mem>>) src(%dma_wait3A_35 : memref<40x128xi32, #tpu.memory_space<hbm>>) dst(%arg6 : memref<40x128xi32, #tpu.memory_space<vmem>>)
      tpu.yield
    }) : () -> ()
    %mul3A_3 = arith.constant 5120 : i32
    %mul3A_4 = arith.muli %add3A, %mul3A_3 : i32
    "tpu.region"() ({
      %run_scoped3A = tpu.sem_alloc : memref<!tpu.dma_semaphore, #tpu.memory_space<semaphore_mem>>
      %dma_start3A = arith.constant 0 : i32
      %dma_start3A_21 = tpu.memref_slice %arg2[%mul3A_4, %dma_start3A] : memref<163840x16xf32, #tpu.memory_space<hbm>> -> memref<5120x16xf32, #tpu.memory_space<hbm>>
      %dma_start3A_22 = arith.constant 0 : i32
      %dma_start3A_23 = tpu.memref_slice %arg2[%mul3A_4, %dma_start3A_22] : memref<163840x16xf32, #tpu.memory_space<hbm>> -> memref<5120x16xf32, #tpu.memory_space<hbm>>
      tpu.enqueue_dma source(%dma_start3A_23 : memref<5120x16xf32, #tpu.memory_space<hbm>>) target(%arg7 : memref<5120x16xf32, #tpu.memory_space<vmem>>) target_semaphore(%run_scoped3A : memref<!tpu.dma_semaphore, #tpu.memory_space<semaphore_mem>>)
      %dma_wait3A_24 = arith.constant 0 : i32
      %dma_wait3A_25 = tpu.memref_slice %arg2[%mul3A_4, %dma_wait3A_24] : memref<163840x16xf32, #tpu.memory_space<hbm>> -> memref<5120x16xf32, #tpu.memory_space<hbm>>
      %dma_wait3A_26 = arith.constant 0 : i32
      %dma_wait3A_27 = tpu.memref_slice %arg2[%mul3A_4, %dma_wait3A_26] : memref<163840x16xf32, #tpu.memory_space<hbm>> -> memref<5120x16xf32, #tpu.memory_space<hbm>>
      tpu.wait_dma2 semaphore(%run_scoped3A : memref<!tpu.dma_semaphore, #tpu.memory_space<semaphore_mem>>) src(%dma_wait3A_27 : memref<5120x16xf32, #tpu.memory_space<hbm>>) dst(%arg7 : memref<5120x16xf32, #tpu.memory_space<vmem>>)
      tpu.yield
    }) : () -> ()
    %barrier3A = arith.constant 0 : index
    tpu.barrier barrier_id(%barrier3A)
    %scan3A = arith.constant 0 : i32
    %scan3A_5 = arith.constant 0 : i32
    %scan3A_6 = arith.constant 40 : i32
    %scan3A_7 = arith.addi %scan3A_5, %scan3A_6 : i32
    %scan3A_8 = arith.constant 1 : i32
    scf.for %scan3A_21 = %scan3A_5 to %scan3A_7 step %scan3A_8  : i32 {
      %mul3A_22 = arith.constant 128 : i32
      %mul3A_23 = arith.muli %scan3A_21, %mul3A_22 : i32
      %dma_start3A = arith.constant 0 : i32
      %dma_start3A_24 = tpu.memref_slice %arg7[%mul3A_23, %dma_start3A] : memref<5120x16xf32, #tpu.memory_space<vmem>> -> memref<128x16xf32, #tpu.memory_space<vmem>>
      %dma_start3A_25 = arith.constant 0 : i32
      %dma_start3A_26 = tpu.memref_slice %arg6[%scan3A_21, %dma_start3A_25] : memref<40x128xi32, #tpu.memory_space<vmem>> -> memref<1x128xi32, #tpu.memory_space<vmem>>
      %dma_start3A_27 = tpu.memref_squeeze %dma_start3A_26 : memref<1x128xi32, #tpu.memory_space<vmem>> -> memref<128xi32, #tpu.memory_space<vmem>>
      %dma_start3A_28 = arith.constant 0 : i32
      %dma_start3A_29 = arith.constant 0 : i32
      %dma_start3A_30 = tpu.memref_slice %arg8[%dma_start3A_28, %dma_start3A_29] : memref<10240x16xf32, #tpu.memory_space<vmem_shared>> -> memref<10240x16xf32, #tpu.memory_space<vmem_shared>>
      tpu.enqueue_indirect_dma source(%dma_start3A_24 : memref<128x16xf32, #tpu.memory_space<vmem>>) target(%dma_start3A_30 : memref<10240x16xf32, #tpu.memory_space<vmem_shared>>) offsets(%dma_start3A_27 : memref<128xi32, #tpu.memory_space<vmem>>) semaphore(%arg9 : memref<!tpu.dma_semaphore, #tpu.memory_space<semaphore_mem>>) {add = true}
    }
    %scan3A_9 = arith.constant 40 : i32
    %dma_wait3A = arith.constant 0 : i32
    %dma_wait3A_10 = tpu.memref_slice %arg2[%mul3A_4, %dma_wait3A] : memref<163840x16xf32, #tpu.memory_space<hbm>> -> memref<5120x16xf32, #tpu.memory_space<hbm>>
    %dma_wait3A_11 = arith.constant 0 : i32
    %dma_wait3A_12 = tpu.memref_slice %arg2[%mul3A_4, %dma_wait3A_11] : memref<163840x16xf32, #tpu.memory_space<hbm>> -> memref<5120x16xf32, #tpu.memory_space<hbm>>
    tpu.wait_dma2 semaphore(%arg9 : memref<!tpu.dma_semaphore, #tpu.memory_space<semaphore_mem>>) src(%dma_wait3A_12 : memref<5120x16xf32, #tpu.memory_space<hbm>>) dst(%arg7 : memref<5120x16xf32, #tpu.memory_space<vmem>>)
    %barrier3A_13 = arith.constant 0 : index
    tpu.barrier barrier_id(%barrier3A_13)
    %mul3A_14 = arith.constant 640 : i32
    %mul3A_15 = arith.muli %arg1, %mul3A_14 : i32
    %mul3A_16 = arith.constant 10240 : i32
    %mul3A_17 = arith.muli %arg0, %mul3A_16 : i32
    %mul3A_18 = arith.constant 640 : i32
    %mul3A_19 = arith.muli %arg1, %mul3A_18 : i32
    %add3A_20 = arith.addi %mul3A_17, %mul3A_19 : i32
    "tpu.region"() ({
      %run_scoped3A = tpu.sem_alloc : memref<!tpu.dma_semaphore, #tpu.memory_space<semaphore_mem>>
      %dma_start3A = arith.constant 0 : i32
      %dma_start3A_21 = tpu.memref_slice %arg5[%add3A_20, %dma_start3A] : memref<20480x16xf32, #tpu.memory_space<hbm>> -> memref<640x16xf32, #tpu.memory_space<hbm>>
      %dma_start3A_22 = arith.constant 0 : i32
      %dma_start3A_23 = tpu.memref_slice %arg8[%mul3A_15, %dma_start3A_22] : memref<10240x16xf32, #tpu.memory_space<vmem_shared>> -> memref<640x16xf32, #tpu.memory_space<vmem_shared>>
      tpu.enqueue_dma source(%dma_start3A_23 : memref<640x16xf32, #tpu.memory_space<vmem_shared>>) target(%dma_start3A_21 : memref<640x16xf32, #tpu.memory_space<hbm>>) target_semaphore(%run_scoped3A : memref<!tpu.dma_semaphore, #tpu.memory_space<semaphore_mem>>)
      %dma_wait3A_24 = arith.constant 0 : i32
      %dma_wait3A_25 = tpu.memref_slice %arg5[%add3A_20, %dma_wait3A_24] : memref<20480x16xf32, #tpu.memory_space<hbm>> -> memref<640x16xf32, #tpu.memory_space<hbm>>
      %dma_wait3A_26 = arith.constant 0 : i32
      %dma_wait3A_27 = tpu.memref_slice %arg8[%mul3A_15, %dma_wait3A_26] : memref<10240x16xf32, #tpu.memory_space<vmem_shared>> -> memref<640x16xf32, #tpu.memory_space<vmem_shared>>
      tpu.wait_dma2 semaphore(%run_scoped3A : memref<!tpu.dma_semaphore, #tpu.memory_space<semaphore_mem>>) src(%dma_wait3A_27 : memref<640x16xf32, #tpu.memory_space<vmem_shared>>) dst(%dma_wait3A_25 : memref<640x16xf32, #tpu.memory_space<hbm>>)
      tpu.yield
    }) : () -> ()
    return
  }
}

module attributes {stable_mosaic.version = 14 : i64} {
  func.func @_msg_body(%arg0: i32, %arg1: memref<4096x16xf32, #tpu.memory_space<vmem>>, %arg2: memref<4096x16xf32, #tpu.memory_space<vmem>>, %arg3: memref<16x64xf32, #tpu.memory_space<vmem>>, %arg4: memref<1x64xf32, #tpu.memory_space<vmem>>, %arg5: memref<64x256xf32, #tpu.memory_space<vmem>>, %arg6: memref<1x256xf32, #tpu.memory_space<vmem>>, %arg7: memref<4096x16xf32, #tpu.memory_space<vmem>>) attributes {dimension_semantics = [#tpu.dimension_semantics<arbitrary>], iteration_bounds = array<i64: 40>, scalar_prefetch = 0 : i64, scratch_operands = 0 : i64, tpu.core_type = #tpu.core_type<tc>, window_params = [{transform_indices = @transform_0, window_bounds = array<i64: 4096, 16>}, {transform_indices = @transform_1, window_bounds = array<i64: 4096, 16>}, {pipeline_mode = #tpu.pipeline_mode<synchronous>, transform_indices = @transform_2, window_bounds = array<i64: 16, 64>}, {pipeline_mode = #tpu.pipeline_mode<synchronous>, transform_indices = @transform_3, window_bounds = array<i64: 1, 64>}, {pipeline_mode = #tpu.pipeline_mode<synchronous>, transform_indices = @transform_4, window_bounds = array<i64: 64, 256>}, {pipeline_mode = #tpu.pipeline_mode<synchronous>, transform_indices = @transform_5, window_bounds = array<i64: 1, 256>}, {transform_indices = @transform_6, window_bounds = array<i64: 4096, 16>}]} {
    %get3A = arith.constant 0 : index
    %get3A_0 = arith.constant 0 : index
    %get3A_1 = vector.load %arg1[%get3A, %get3A_0] : memref<4096x16xf32, #tpu.memory_space<vmem>>, vector<4096x16xf32>
    %get3A_2 = arith.constant 0 : index
    %get3A_3 = arith.constant 0 : index
    %get3A_4 = vector.load %arg3[%get3A_2, %get3A_3] : memref<16x64xf32, #tpu.memory_space<vmem>>, vector<16x64xf32>
    %dot_general3A = arith.constant dense<0.000000e+00> : vector<4096x64xf32>
    %dot_general3A_5 = tpu.matmul %get3A_1, %get3A_4, %dot_general3A {dimension_numbers = #tpu.dot_dimension_numbers<[1], [0], [0], [1], [0, 0, 1, 1], [], []>, transpose_lhs_hint = false} : vector<4096x16xf32>, vector<16x64xf32>, vector<4096x64xf32> -> vector<4096x64xf32>
    %get3A_6 = arith.constant 0 : index
    %get3A_7 = arith.constant 0 : index
    %get3A_8 = vector.load %arg4[%get3A_6, %get3A_7] : memref<1x64xf32, #tpu.memory_space<vmem>>, vector<1x64xf32>
    %add3A = vector.broadcast %get3A_8 : vector<1x64xf32> to vector<4096x64xf32>
    %add3A_9 = arith.addf %dot_general3A_5, %add3A : vector<4096x64xf32>
    %max3A = arith.constant 0.000000e+00 : f32
    %max3A_10 = vector.broadcast %max3A : f32 to vector<4096x64xf32>
    %max3A_11 = arith.maximumf %add3A_9, %max3A_10 : vector<4096x64xf32>
    %get3A_12 = arith.constant 0 : index
    %get3A_13 = arith.constant 0 : index
    %get3A_14 = vector.load %arg5[%get3A_12, %get3A_13] : memref<64x256xf32, #tpu.memory_space<vmem>>, vector<64x256xf32>
    %dot_general3A_15 = arith.constant dense<0.000000e+00> : vector<4096x256xf32>
    %dot_general3A_16 = tpu.matmul %max3A_11, %get3A_14, %dot_general3A_15 {dimension_numbers = #tpu.dot_dimension_numbers<[1], [0], [0], [1], [0, 0, 1, 1], [], []>, transpose_lhs_hint = false} : vector<4096x64xf32>, vector<64x256xf32>, vector<4096x256xf32> -> vector<4096x256xf32>
    %get3A_17 = arith.constant 0 : index
    %get3A_18 = arith.constant 0 : index
    %get3A_19 = vector.load %arg6[%get3A_17, %get3A_18] : memref<1x256xf32, #tpu.memory_space<vmem>>, vector<1x256xf32>
    %add3A_20 = vector.broadcast %get3A_19 : vector<1x256xf32> to vector<4096x256xf32>
    %add3A_21 = arith.addf %dot_general3A_16, %add3A_20 : vector<4096x256xf32>
    %iota3A = tpu.iota {dimensions = array<i32: 0>} : vector<16x256xi32>
    %iota3A_22 = tpu.iota {dimensions = array<i32: 1>} : vector<16x256xi32>
    %jit3A = arith.constant 16 : i32
    %div3A = vector.broadcast %jit3A : i32 to vector<16x256xi32>
    %div3A_23 = arith.divsi %iota3A_22, %div3A : vector<16x256xi32>
    %sign3A = arith.constant 0 : i32
    %sign3A_24 = vector.broadcast %sign3A : i32 to vector<16x256xi32>
    %sign3A_25 = arith.cmpi sgt, %iota3A_22, %sign3A_24 : vector<16x256xi32>
    %sign3A_26 = arith.extui %sign3A_25 : vector<16x256xi1> to vector<16x256xi32>
    %sign3A_27 = arith.constant 0 : i32
    %sign3A_28 = vector.broadcast %sign3A_27 : i32 to vector<16x256xi32>
    %sign3A_29 = arith.cmpi slt, %iota3A_22, %sign3A_28 : vector<16x256xi32>
    %sign3A_30 = arith.extui %sign3A_29 : vector<16x256xi1> to vector<16x256xi32>
    %sign3A_31 = arith.subi %sign3A_26, %sign3A_30 : vector<16x256xi32>
    %sign3A_32 = arith.constant 0 : i32
    %sign3A_33 = arith.cmpi sgt, %jit3A, %sign3A_32 : i32
    %sign3A_34 = arith.extui %sign3A_33 : i1 to i32
    %sign3A_35 = arith.constant 0 : i32
    %sign3A_36 = arith.cmpi slt, %jit3A, %sign3A_35 : i32
    %sign3A_37 = arith.extui %sign3A_36 : i1 to i32
    %sign3A_38 = arith.subi %sign3A_34, %sign3A_37 : i32
    %ne3A = vector.broadcast %sign3A_38 : i32 to vector<16x256xi32>
    %ne3A_39 = arith.cmpi ne, %sign3A_31, %ne3A : vector<16x256xi32>
    %rem3A = vector.broadcast %jit3A : i32 to vector<16x256xi32>
    %rem3A_40 = arith.remsi %iota3A_22, %rem3A : vector<16x256xi32>
    %ne3A_41 = arith.constant 0 : i32
    %ne3A_42 = vector.broadcast %ne3A_41 : i32 to vector<16x256xi32>
    %ne3A_43 = arith.cmpi ne, %rem3A_40, %ne3A_42 : vector<16x256xi32>
    %and3A = arith.andi %ne3A_39, %ne3A_43 : vector<16x256xi1>
    %sub3A = arith.constant 1 : i32
    %sub3A_44 = vector.broadcast %sub3A : i32 to vector<16x256xi32>
    %sub3A_45 = arith.subi %div3A_23, %sub3A_44 : vector<16x256xi32>
    %select_n3A = arith.select %and3A, %sub3A_45, %div3A_23 : vector<16x256xi1>, vector<16x256xi32>
    %eq3A = arith.cmpi eq, %select_n3A, %iota3A : vector<16x256xi32>
    %jit3A_46 = arith.constant 1.000000e+00 : f32
    %jit3A_47 = arith.constant 0.000000e+00 : f32
    %broadcast_in_dim3A = vector.broadcast %jit3A_46 : f32 to vector<16x256xf32>
    %broadcast_in_dim3A_48 = vector.broadcast %jit3A_47 : f32 to vector<16x256xf32>
    %select_n3A_49 = arith.select %eq3A, %broadcast_in_dim3A, %broadcast_in_dim3A_48 : vector<16x256xi1>, vector<16x256xf32>
    %get3A_50 = arith.constant 0 : index
    %get3A_51 = arith.constant 0 : index
    %get3A_52 = vector.load %arg2[%get3A_50, %get3A_51] : memref<4096x16xf32, #tpu.memory_space<vmem>>, vector<4096x16xf32>
    %dot_general3A_53 = arith.constant dense<0.000000e+00> : vector<4096x256xf32>
    %dot_general3A_54 = tpu.matmul %get3A_52, %select_n3A_49, %dot_general3A_53 {dimension_numbers = #tpu.dot_dimension_numbers<[1], [0], [0], [1], [0, 0, 1, 1], [], []>, transpose_lhs_hint = false} : vector<4096x16xf32>, vector<16x256xf32>, vector<4096x256xf32> -> vector<4096x256xf32>
    %convert_element_type3A = arith.truncf %add3A_21 : vector<4096x256xf32> to vector<4096x256xbf16>
    %convert_element_type3A_55 = arith.extf %convert_element_type3A : vector<4096x256xbf16> to vector<4096x256xf32>
    %mul3A = arith.mulf %dot_general3A_54, %convert_element_type3A_55 : vector<4096x256xf32>
    %convert_element_type3A_56 = arith.truncf %mul3A : vector<4096x256xf32> to vector<4096x256xbf16>
    %convert_element_type3A_57 = arith.extf %convert_element_type3A_56 : vector<4096x256xbf16> to vector<4096x256xf32>
    %sub3A_58 = arith.subf %mul3A, %convert_element_type3A_57 : vector<4096x256xf32>
    %iota3A_59 = tpu.iota {dimensions = array<i32: 0>} : vector<256x16xi32>
    %iota3A_60 = tpu.iota {dimensions = array<i32: 1>} : vector<256x16xi32>
    %jit3A_61 = arith.constant 16 : i32
    %eq3A_62 = arith.constant 0 : i32
    %eq3A_63 = arith.cmpi eq, %jit3A_61, %eq3A_62 : i32
    %jit3A_64 = arith.constant 1 : i32
    %select_n3A_65 = arith.select %eq3A_63, %jit3A_64, %jit3A_61 : i32
    %rem3A_66 = vector.broadcast %select_n3A_65 : i32 to vector<256x16xi32>
    %rem3A_67 = arith.remsi %iota3A_59, %rem3A_66 : vector<256x16xi32>
    %ne3A_68 = arith.constant 0 : i32
    %ne3A_69 = vector.broadcast %ne3A_68 : i32 to vector<256x16xi32>
    %ne3A_70 = arith.cmpi ne, %rem3A_67, %ne3A_69 : vector<256x16xi32>
    %lt3A = arith.constant 0 : i32
    %lt3A_71 = vector.broadcast %lt3A : i32 to vector<256x16xi32>
    %lt3A_72 = arith.cmpi slt, %rem3A_67, %lt3A_71 : vector<256x16xi32>
    %lt3A_73 = arith.constant 0 : i32
    %lt3A_74 = arith.cmpi slt, %select_n3A_65, %lt3A_73 : i32
    %ne3A_75 = vector.broadcast %lt3A_74 : i1 to vector<256x16xi1>
    %ne3A_76 = vector.broadcast %ne3A_75 : vector<256x16xi1> to vector<256x16xi1>
    %ne3A_77 = arith.xori %lt3A_72, %ne3A_76 : vector<256x16xi1>
    %and3A_78 = arith.andi %ne3A_77, %ne3A_70 : vector<256x16xi1>
    %add3A_79 = vector.broadcast %select_n3A_65 : i32 to vector<256x16xi32>
    %add3A_80 = arith.addi %rem3A_67, %add3A_79 : vector<256x16xi32>
    %select_n3A_81 = arith.select %and3A_78, %add3A_80, %rem3A_67 : vector<256x16xi1>, vector<256x16xi32>
    %eq3A_82 = arith.cmpi eq, %select_n3A_81, %iota3A_60 : vector<256x16xi32>
    %jit3A_83 = arith.constant 1.000000e+00 : f32
    %jit3A_84 = arith.constant 0.000000e+00 : f32
    %broadcast_in_dim3A_85 = vector.broadcast %jit3A_83 : f32 to vector<256x16xf32>
    %broadcast_in_dim3A_86 = vector.broadcast %jit3A_84 : f32 to vector<256x16xf32>
    %select_n3A_87 = arith.select %eq3A_82, %broadcast_in_dim3A_85, %broadcast_in_dim3A_86 : vector<256x16xi1>, vector<256x16xf32>
    %dot_general3A_88 = arith.constant dense<0.000000e+00> : vector<4096x16xf32>
    %dot_general3A_89 = tpu.matmul %convert_element_type3A_57, %select_n3A_87, %dot_general3A_88 {dimension_numbers = #tpu.dot_dimension_numbers<[1], [0], [0], [1], [0, 0, 1, 1], [], []>, transpose_lhs_hint = false} : vector<4096x256xf32>, vector<256x16xf32>, vector<4096x16xf32> -> vector<4096x16xf32>
    %dot_general3A_90 = arith.constant dense<0.000000e+00> : vector<4096x16xf32>
    %dot_general3A_91 = tpu.matmul %sub3A_58, %select_n3A_87, %dot_general3A_90 {dimension_numbers = #tpu.dot_dimension_numbers<[1], [0], [0], [1], [0, 0, 1, 1], [], []>, transpose_lhs_hint = false} : vector<4096x256xf32>, vector<256x16xf32>, vector<4096x16xf32> -> vector<4096x16xf32>
    %add3A_92 = arith.addf %dot_general3A_89, %dot_general3A_91 : vector<4096x16xf32>
    %swap3A = arith.constant 0 : index
    %swap3A_93 = arith.constant 0 : index
    %swap3A_94 = vector.load %arg7[%swap3A, %swap3A_93] : memref<4096x16xf32, #tpu.memory_space<vmem>>, vector<4096x16xf32>
    tpu.vector_store %arg7[%swap3A, %swap3A_93], %add3A_92 {strides = array<i32>} : memref<4096x16xf32, #tpu.memory_space<vmem>>, vector<4096x16xf32>,
    return
  }
  func.func @transform_0(%arg0: i32) -> (i32, i32) {
    %c0_i32 = arith.constant 0 : i32
    %c0_i32_0 = arith.constant 0 : i32
    return %arg0, %c0_i32 : i32, i32
  }
  func.func @transform_1(%arg0: i32) -> (i32, i32) {
    %c0_i32 = arith.constant 0 : i32
    %c0_i32_0 = arith.constant 0 : i32
    return %arg0, %c0_i32 : i32, i32
  }
  func.func @transform_2(%arg0: i32) -> (i32, i32) {
    %c0_i32 = arith.constant 0 : i32
    %c0_i32_0 = arith.constant 0 : i32
    %c0_i32_1 = arith.constant 0 : i32
    return %c0_i32, %c0_i32_0 : i32, i32
  }
  func.func @transform_3(%arg0: i32) -> (i32, i32) {
    %c0_i32 = arith.constant 0 : i32
    %c0_i32_0 = arith.constant 0 : i32
    %c0_i32_1 = arith.constant 0 : i32
    return %c0_i32, %c0_i32_0 : i32, i32
  }
  func.func @transform_4(%arg0: i32) -> (i32, i32) {
    %c0_i32 = arith.constant 0 : i32
    %c0_i32_0 = arith.constant 0 : i32
    %c0_i32_1 = arith.constant 0 : i32
    return %c0_i32, %c0_i32_0 : i32, i32
  }
  func.func @transform_5(%arg0: i32) -> (i32, i32) {
    %c0_i32 = arith.constant 0 : i32
    %c0_i32_0 = arith.constant 0 : i32
    %c0_i32_1 = arith.constant 0 : i32
    return %c0_i32, %c0_i32_0 : i32, i32
  }
  func.func @transform_6(%arg0: i32) -> (i32, i32) {
    %c0_i32 = arith.constant 0 : i32
    %c0_i32_0 = arith.constant 0 : i32
    return %arg0, %c0_i32 : i32, i32
  }
}

module attributes {stable_mosaic.version = 14 : i64} {
  func.func @_combine_body(%arg0: i32, %arg1: memref<2000x16xf32, #tpu.memory_space<vmem>>, %arg2: memref<2000x16xf32, #tpu.memory_space<vmem>>, %arg3: memref<2000x16xf32, #tpu.memory_space<vmem>>, %arg4: memref<16x16xf32, #tpu.memory_space<vmem>>, %arg5: memref<1x16xf32, #tpu.memory_space<vmem>>, %arg6: memref<2000x16xf32, #tpu.memory_space<vmem>>) attributes {dimension_semantics = [#tpu.dimension_semantics<arbitrary>], iteration_bounds = array<i64: 5>, scalar_prefetch = 0 : i64, scratch_operands = 0 : i64, tpu.core_type = #tpu.core_type<tc>, window_params = [{transform_indices = @transform_0, window_bounds = array<i64: 2000, 16>}, {transform_indices = @transform_1, window_bounds = array<i64: 2000, 16>}, {transform_indices = @transform_2, window_bounds = array<i64: 2000, 16>}, {pipeline_mode = #tpu.pipeline_mode<synchronous>, transform_indices = @transform_3, window_bounds = array<i64: 16, 16>}, {pipeline_mode = #tpu.pipeline_mode<synchronous>, transform_indices = @transform_4, window_bounds = array<i64: 1, 16>}, {transform_indices = @transform_5, window_bounds = array<i64: 2000, 16>}]} {
    %get3A = arith.constant 0 : index
    %get3A_0 = arith.constant 0 : index
    %get3A_1 = vector.load %arg1[%get3A, %get3A_0] : memref<2000x16xf32, #tpu.memory_space<vmem>>, vector<2000x16xf32>
    %get3A_2 = arith.constant 0 : index
    %get3A_3 = arith.constant 0 : index
    %get3A_4 = vector.load %arg2[%get3A_2, %get3A_3] : memref<2000x16xf32, #tpu.memory_space<vmem>>, vector<2000x16xf32>
    %add3A = arith.addf %get3A_1, %get3A_4 : vector<2000x16xf32>
    %get3A_5 = arith.constant 0 : index
    %get3A_6 = arith.constant 0 : index
    %get3A_7 = vector.load %arg3[%get3A_5, %get3A_6] : memref<2000x16xf32, #tpu.memory_space<vmem>>, vector<2000x16xf32>
    %get3A_8 = arith.constant 0 : index
    %get3A_9 = arith.constant 0 : index
    %get3A_10 = vector.load %arg4[%get3A_8, %get3A_9] : memref<16x16xf32, #tpu.memory_space<vmem>>, vector<16x16xf32>
    %dot_general3A = arith.constant dense<0.000000e+00> : vector<2000x16xf32>
    %dot_general3A_11 = tpu.matmul %get3A_7, %get3A_10, %dot_general3A {dimension_numbers = #tpu.dot_dimension_numbers<[1], [0], [0], [1], [0, 0, 1, 1], [], []>, transpose_lhs_hint = false} : vector<2000x16xf32>, vector<16x16xf32>, vector<2000x16xf32> -> vector<2000x16xf32>
    %add3A_12 = arith.addf %add3A, %dot_general3A_11 : vector<2000x16xf32>
    %get3A_13 = arith.constant 0 : index
    %get3A_14 = arith.constant 0 : index
    %get3A_15 = vector.load %arg5[%get3A_13, %get3A_14] : memref<1x16xf32, #tpu.memory_space<vmem>>, vector<1x16xf32>
    %add3A_16 = vector.broadcast %get3A_15 : vector<1x16xf32> to vector<2000x16xf32>
    %add3A_17 = arith.addf %add3A_12, %add3A_16 : vector<2000x16xf32>
    %swap3A = arith.constant 0 : index
    %swap3A_18 = arith.constant 0 : index
    %swap3A_19 = vector.load %arg6[%swap3A, %swap3A_18] : memref<2000x16xf32, #tpu.memory_space<vmem>>, vector<2000x16xf32>
    tpu.vector_store %arg6[%swap3A, %swap3A_18], %add3A_17 {strides = array<i32>} : memref<2000x16xf32, #tpu.memory_space<vmem>>, vector<2000x16xf32>,
    return
  }
  func.func @transform_0(%arg0: i32) -> (i32, i32) {
    %c0_i32 = arith.constant 0 : i32
    %c0_i32_0 = arith.constant 0 : i32
    return %arg0, %c0_i32 : i32, i32
  }
  func.func @transform_1(%arg0: i32) -> (i32, i32) {
    %c0_i32 = arith.constant 0 : i32
    %c0_i32_0 = arith.constant 0 : i32
    return %arg0, %c0_i32 : i32, i32
  }
  func.func @transform_2(%arg0: i32) -> (i32, i32) {
    %c0_i32 = arith.constant 0 : i32
    %c0_i32_0 = arith.constant 0 : i32
    return %arg0, %c0_i32 : i32, i32
  }
  func.func @transform_3(%arg0: i32) -> (i32, i32) {
    %c0_i32 = arith.constant 0 : i32
    %c0_i32_0 = arith.constant 0 : i32
    %c0_i32_1 = arith.constant 0 : i32
    return %c0_i32, %c0_i32_0 : i32, i32
  }
  func.func @transform_4(%arg0: i32) -> (i32, i32) {
    %c0_i32 = arith.constant 0 : i32
    %c0_i32_0 = arith.constant 0 : i32
    %c0_i32_1 = arith.constant 0 : i32
    return %c0_i32, %c0_i32_0 : i32, i32
  }
  func.func @transform_5(%arg0: i32) -> (i32, i32) {
    %c0_i32 = arith.constant 0 : i32
    %c0_i32_0 = arith.constant 0 : i32
    return %arg0, %c0_i32 : i32, i32
  }
}

module attributes {stable_mosaic.version = 14 : i64} {
  func.func @_pool_body(%arg0: i32, %arg1: memref<2000x16xf32, #tpu.memory_space<vmem>>, %arg2: memref<2000x16xf32, #tpu.memory_space<vmem>>, %arg3: memref<2000x16xf32, #tpu.memory_space<vmem>>, %arg4: memref<16x16xf32, #tpu.memory_space<vmem>>, %arg5: memref<1x16xf32, #tpu.memory_space<vmem>>, %arg6: memref<1x1x2000xi32, #tpu.memory_space<vmem>>, %arg7: memref<64x16xf32, #tpu.memory_space<vmem>>) attributes {dimension_semantics = [#tpu.dimension_semantics<arbitrary>], iteration_bounds = array<i64: 5>, scalar_prefetch = 0 : i64, scratch_operands = 0 : i64, tpu.core_type = #tpu.core_type<tc>, window_params = [{transform_indices = @transform_0, window_bounds = array<i64: 2000, 16>}, {transform_indices = @transform_1, window_bounds = array<i64: 2000, 16>}, {transform_indices = @transform_2, window_bounds = array<i64: 2000, 16>}, {pipeline_mode = #tpu.pipeline_mode<synchronous>, transform_indices = @transform_3, window_bounds = array<i64: 16, 16>}, {pipeline_mode = #tpu.pipeline_mode<synchronous>, transform_indices = @transform_4, window_bounds = array<i64: 1, 16>}, {transform_indices = @transform_5, window_bounds = array<i64: 1, 1, 2000>}, {pipeline_mode = #tpu.pipeline_mode<synchronous>, transform_indices = @transform_6, window_bounds = array<i64: 64, 16>}]} {
    %get3A = arith.constant 0 : index
    %get3A_0 = arith.constant 0 : index
    %get3A_1 = vector.load %arg1[%get3A, %get3A_0] : memref<2000x16xf32, #tpu.memory_space<vmem>>, vector<2000x16xf32>
    %get3A_2 = arith.constant 0 : index
    %get3A_3 = arith.constant 0 : index
    %get3A_4 = vector.load %arg2[%get3A_2, %get3A_3] : memref<2000x16xf32, #tpu.memory_space<vmem>>, vector<2000x16xf32>
    %add3A = arith.addf %get3A_1, %get3A_4 : vector<2000x16xf32>
    %get3A_5 = arith.constant 0 : index
    %get3A_6 = arith.constant 0 : index
    %get3A_7 = vector.load %arg3[%get3A_5, %get3A_6] : memref<2000x16xf32, #tpu.memory_space<vmem>>, vector<2000x16xf32>
    %get3A_8 = arith.constant 0 : index
    %get3A_9 = arith.constant 0 : index
    %get3A_10 = vector.load %arg4[%get3A_8, %get3A_9] : memref<16x16xf32, #tpu.memory_space<vmem>>, vector<16x16xf32>
    %dot_general3A = arith.constant dense<0.000000e+00> : vector<2000x16xf32>
    %dot_general3A_11 = tpu.matmul %get3A_7, %get3A_10, %dot_general3A {dimension_numbers = #tpu.dot_dimension_numbers<[1], [0], [0], [1], [0, 0, 1, 1], [], []>, transpose_lhs_hint = false} : vector<2000x16xf32>, vector<16x16xf32>, vector<2000x16xf32> -> vector<2000x16xf32>
    %add3A_12 = arith.addf %add3A, %dot_general3A_11 : vector<2000x16xf32>
    %get3A_13 = arith.constant 0 : index
    %get3A_14 = arith.constant 0 : index
    %get3A_15 = vector.load %arg5[%get3A_13, %get3A_14] : memref<1x16xf32, #tpu.memory_space<vmem>>, vector<1x16xf32>
    %add3A_16 = vector.broadcast %get3A_15 : vector<1x16xf32> to vector<2000x16xf32>
    %add3A_17 = arith.addf %add3A_12, %add3A_16 : vector<2000x16xf32>
    %get3A_18 = arith.constant 0 : index
    %get3A_19 = arith.constant 0 : index
    %get3A_20 = arith.constant 0 : index
    %get3A_21 = vector.load %arg6[%get3A_18, %get3A_19, %get3A_20] : memref<1x1x2000xi32, #tpu.memory_space<vmem>>, vector<1x1x2000xi32>
    %get3A_22 = vector.shape_cast %get3A_21 : vector<1x1x2000xi32> to vector<1x2000xi32>
    %iota3A = tpu.iota {dimensions = array<i32: 0>} : vector<64x2000xi32>
    %eq3A = vector.broadcast %get3A_22 : vector<1x2000xi32> to vector<64x2000xi32>
    %eq3A_23 = arith.cmpi eq, %iota3A, %eq3A : vector<64x2000xi32>
    %jit3A = arith.constant 1.000000e+00 : f32
    %jit3A_24 = arith.constant 0.000000e+00 : f32
    %broadcast_in_dim3A = vector.broadcast %jit3A : f32 to vector<64x2000xf32>
    %broadcast_in_dim3A_25 = vector.broadcast %jit3A_24 : f32 to vector<64x2000xf32>
    %select_n3A = arith.select %eq3A_23, %broadcast_in_dim3A, %broadcast_in_dim3A_25 : vector<64x2000xi1>, vector<64x2000xf32>
    %dot_general3A_26 = arith.constant dense<0.000000e+00> : vector<64x16xf32>
    %dot_general3A_27 = tpu.matmul %select_n3A, %add3A_17, %dot_general3A_26 {dimension_numbers = #tpu.dot_dimension_numbers<[1], [0], [0], [1], [0, 0, 1, 1], [], []>, precision = #tpu.contract_precision<fp32>, transpose_lhs_hint = false} : vector<64x2000xf32>, vector<2000x16xf32>, vector<64x16xf32> -> vector<64x16xf32>
    %eq3A_28 = arith.constant 0 : i32
    %eq3A_29 = arith.cmpi eq, %arg0, %eq3A_28 : i32
    %convert_element_type3A = arith.extui %eq3A_29 : i1 to i32
    %cond3A = arith.constant 0 : i32
    %cond3A_30 = arith.cmpi ne, %convert_element_type3A, %cond3A : i32
    scf.if %cond3A_30 {
      %swap3A = arith.constant 0 : index
      %swap3A_35 = arith.constant 0 : index
      %swap3A_36 = vector.load %arg7[%swap3A, %swap3A_35] : memref<64x16xf32, #tpu.memory_space<vmem>>, vector<64x16xf32>
      tpu.vector_store %arg7[%swap3A, %swap3A_35], %dot_general3A_27 {strides = array<i32>} : memref<64x16xf32, #tpu.memory_space<vmem>>, vector<64x16xf32>,
    } else {
    }
    %ne3A = arith.constant 0 : i32
    %ne3A_31 = arith.cmpi ne, %arg0, %ne3A : i32
    %convert_element_type3A_32 = arith.extui %ne3A_31 : i1 to i32
    %cond3A_33 = arith.constant 0 : i32
    %cond3A_34 = arith.cmpi ne, %convert_element_type3A_32, %cond3A_33 : i32
    scf.if %cond3A_34 {
      %get3A_35 = arith.constant 0 : index
      %get3A_36 = arith.constant 0 : index
      %get3A_37 = vector.load %arg7[%get3A_35, %get3A_36] : memref<64x16xf32, #tpu.memory_space<vmem>>, vector<64x16xf32>
      %add3A_38 = arith.addf %get3A_37, %dot_general3A_27 : vector<64x16xf32>
      %swap3A = arith.constant 0 : index
      %swap3A_39 = arith.constant 0 : index
      %swap3A_40 = vector.load %arg7[%swap3A, %swap3A_39] : memref<64x16xf32, #tpu.memory_space<vmem>>, vector<64x16xf32>
      tpu.vector_store %arg7[%swap3A, %swap3A_39], %add3A_38 {strides = array<i32>} : memref<64x16xf32, #tpu.memory_space<vmem>>, vector<64x16xf32>,
    } else {
    }
    return
  }
  func.func @transform_0(%arg0: i32) -> (i32, i32) {
    %c0_i32 = arith.constant 0 : i32
    %c0_i32_0 = arith.constant 0 : i32
    return %arg0, %c0_i32 : i32, i32
  }
  func.func @transform_1(%arg0: i32) -> (i32, i32) {
    %c0_i32 = arith.constant 0 : i32
    %c0_i32_0 = arith.constant 0 : i32
    return %arg0, %c0_i32 : i32, i32
  }
  func.func @transform_2(%arg0: i32) -> (i32, i32) {
    %c0_i32 = arith.constant 0 : i32
    %c0_i32_0 = arith.constant 0 : i32
    return %arg0, %c0_i32 : i32, i32
  }
  func.func @transform_3(%arg0: i32) -> (i32, i32) {
    %c0_i32 = arith.constant 0 : i32
    %c0_i32_0 = arith.constant 0 : i32
    %c0_i32_1 = arith.constant 0 : i32
    return %c0_i32, %c0_i32_0 : i32, i32
  }
  func.func @transform_4(%arg0: i32) -> (i32, i32) {
    %c0_i32 = arith.constant 0 : i32
    %c0_i32_0 = arith.constant 0 : i32
    %c0_i32_1 = arith.constant 0 : i32
    return %c0_i32, %c0_i32_0 : i32, i32
  }
  func.func @transform_5(%arg0: i32) -> (i32, i32, i32) {
    %c0_i32 = arith.constant 0 : i32
    %c0_i32_0 = arith.constant 0 : i32
    %c0_i32_1 = arith.constant 0 : i32
    return %arg0, %c0_i32, %c0_i32_0 : i32, i32, i32
  }
  func.func @transform_6(%arg0: i32) -> (i32, i32) {
    %c0_i32 = arith.constant 0 : i32
    %c0_i32_0 = arith.constant 0 : i32
    %c0_i32_1 = arith.constant 0 : i32
    return %c0_i32, %c0_i32_0 : i32, i32
  }
}

module attributes {stable_mosaic.version = 14 : i64} {
  func.func @_head_body(%arg0: memref<64x16xf32, #tpu.memory_space<vmem>>, %arg1: memref<16x154xf32, #tpu.memory_space<vmem>>, %arg2: memref<1x154xf32, #tpu.memory_space<vmem>>, %arg3: memref<6x154x154xf32, #tpu.memory_space<vmem>>, %arg4: memref<6x1x154xf32, #tpu.memory_space<vmem>>, %arg5: memref<6x154x154xf32, #tpu.memory_space<vmem>>, %arg6: memref<6x1x154xf32, #tpu.memory_space<vmem>>, %arg7: memref<154x7xf32, #tpu.memory_space<vmem>>, %arg8: memref<1x7xf32, #tpu.memory_space<vmem>>, %arg9: memref<154x1xf32, #tpu.memory_space<vmem>>, %arg10: memref<1x1xf32, #tpu.memory_space<vmem>>, %arg11: memref<64x7xf32, #tpu.memory_space<vmem>>, %arg12: memref<64x1xf32, #tpu.memory_space<vmem>>) attributes {dimension_semantics = [], scalar_prefetch = 0 : i64, scratch_operands = 0 : i64, tpu.core_type = #tpu.core_type<tc>} {
    %get3A = arith.constant 0 : index
    %get3A_0 = arith.constant 0 : index
    %get3A_1 = vector.load %arg0[%get3A, %get3A_0] : memref<64x16xf32, #tpu.memory_space<vmem>>, vector<64x16xf32>
    %get3A_2 = arith.constant 0 : index
    %get3A_3 = arith.constant 0 : index
    %get3A_4 = vector.load %arg1[%get3A_2, %get3A_3] : memref<16x154xf32, #tpu.memory_space<vmem>>, vector<16x154xf32>
    %dot_general3A = arith.constant dense<0.000000e+00> : vector<64x154xf32>
    %dot_general3A_5 = tpu.matmul %get3A_1, %get3A_4, %dot_general3A {dimension_numbers = #tpu.dot_dimension_numbers<[1], [0], [0], [1], [0, 0, 1, 1], [], []>, transpose_lhs_hint = false} : vector<64x16xf32>, vector<16x154xf32>, vector<64x154xf32> -> vector<64x154xf32>
    %get3A_6 = arith.constant 0 : index
    %get3A_7 = arith.constant 0 : index
    %get3A_8 = vector.load %arg2[%get3A_6, %get3A_7] : memref<1x154xf32, #tpu.memory_space<vmem>>, vector<1x154xf32>
    %add3A = vector.broadcast %get3A_8 : vector<1x154xf32> to vector<64x154xf32>
    %add3A_9 = arith.addf %dot_general3A_5, %add3A : vector<64x154xf32>
    %get3A_10 = arith.constant 0 : index
    %get3A_11 = arith.constant 0 : index
    %get3A_12 = arith.constant 0 : index
    %get3A_13 = vector.load %arg3[%get3A_10, %get3A_11, %get3A_12] : memref<6x154x154xf32, #tpu.memory_space<vmem>>, vector<1x154x154xf32>
    %get3A_14 = vector.shape_cast %get3A_13 : vector<1x154x154xf32> to vector<154x154xf32>
    %dot_general3A_15 = arith.constant dense<0.000000e+00> : vector<64x154xf32>
    %dot_general3A_16 = tpu.matmul %add3A_9, %get3A_14, %dot_general3A_15 {dimension_numbers = #tpu.dot_dimension_numbers<[1], [0], [0], [1], [0, 0, 1, 1], [], []>, transpose_lhs_hint = false} : vector<64x154xf32>, vector<154x154xf32>, vector<64x154xf32> -> vector<64x154xf32>
    %get3A_17 = arith.constant 0 : index
    %get3A_18 = arith.constant 0 : index
    %get3A_19 = arith.constant 0 : index
    %get3A_20 = vector.load %arg4[%get3A_17, %get3A_18, %get3A_19] : memref<6x1x154xf32, #tpu.memory_space<vmem>>, vector<1x1x154xf32>
    %get3A_21 = vector.shape_cast %get3A_20 : vector<1x1x154xf32> to vector<1x154xf32>
    %add3A_22 = vector.broadcast %get3A_21 : vector<1x154xf32> to vector<64x154xf32>
    %add3A_23 = arith.addf %dot_general3A_16, %add3A_22 : vector<64x154xf32>
    %max3A = arith.constant 0.000000e+00 : f32
    %max3A_24 = vector.broadcast %max3A : f32 to vector<64x154xf32>
    %max3A_25 = arith.maximumf %add3A_23, %max3A_24 : vector<64x154xf32>
    %get3A_26 = arith.constant 0 : index
    %get3A_27 = arith.constant 0 : index
    %get3A_28 = arith.constant 0 : index
    %get3A_29 = vector.load %arg5[%get3A_26, %get3A_27, %get3A_28] : memref<6x154x154xf32, #tpu.memory_space<vmem>>, vector<1x154x154xf32>
    %get3A_30 = vector.shape_cast %get3A_29 : vector<1x154x154xf32> to vector<154x154xf32>
    %dot_general3A_31 = arith.constant dense<0.000000e+00> : vector<64x154xf32>
    %dot_general3A_32 = tpu.matmul %max3A_25, %get3A_30, %dot_general3A_31 {dimension_numbers = #tpu.dot_dimension_numbers<[1], [0], [0], [1], [0, 0, 1, 1], [], []>, transpose_lhs_hint = false} : vector<64x154xf32>, vector<154x154xf32>, vector<64x154xf32> -> vector<64x154xf32>
    %get3A_33 = arith.constant 0 : index
    %get3A_34 = arith.constant 0 : index
    %get3A_35 = arith.constant 0 : index
    %get3A_36 = vector.load %arg6[%get3A_33, %get3A_34, %get3A_35] : memref<6x1x154xf32, #tpu.memory_space<vmem>>, vector<1x1x154xf32>
    %get3A_37 = vector.shape_cast %get3A_36 : vector<1x1x154xf32> to vector<1x154xf32>
    %add3A_38 = vector.broadcast %get3A_37 : vector<1x154xf32> to vector<64x154xf32>
    %add3A_39 = arith.addf %dot_general3A_32, %add3A_38 : vector<64x154xf32>
    %add3A_40 = arith.addf %add3A_9, %add3A_39 : vector<64x154xf32>
    %get3A_41 = arith.constant 1 : index
    %get3A_42 = arith.constant 0 : index
    %get3A_43 = arith.constant 0 : index
    %get3A_44 = vector.load %arg3[%get3A_41, %get3A_42, %get3A_43] : memref<6x154x154xf32, #tpu.memory_space<vmem>>, vector<1x154x154xf32>
    %get3A_45 = vector.shape_cast %get3A_44 : vector<1x154x154xf32> to vector<154x154xf32>
    %dot_general3A_46 = arith.constant dense<0.000000e+00> : vector<64x154xf32>
    %dot_general3A_47 = tpu.matmul %add3A_40, %get3A_45, %dot_general3A_46 {dimension_numbers = #tpu.dot_dimension_numbers<[1], [0], [0], [1], [0, 0, 1, 1], [], []>, transpose_lhs_hint = false} : vector<64x154xf32>, vector<154x154xf32>, vector<64x154xf32> -> vector<64x154xf32>
    %get3A_48 = arith.constant 1 : index
    %get3A_49 = arith.constant 0 : index
    %get3A_50 = arith.constant 0 : index
    %get3A_51 = vector.load %arg4[%get3A_48, %get3A_49, %get3A_50] : memref<6x1x154xf32, #tpu.memory_space<vmem>>, vector<1x1x154xf32>
    %get3A_52 = vector.shape_cast %get3A_51 : vector<1x1x154xf32> to vector<1x154xf32>
    %add3A_53 = vector.broadcast %get3A_52 : vector<1x154xf32> to vector<64x154xf32>
    %add3A_54 = arith.addf %dot_general3A_47, %add3A_53 : vector<64x154xf32>
    %max3A_55 = arith.constant 0.000000e+00 : f32
    %max3A_56 = vector.broadcast %max3A_55 : f32 to vector<64x154xf32>
    %max3A_57 = arith.maximumf %add3A_54, %max3A_56 : vector<64x154xf32>
    %get3A_58 = arith.constant 1 : index
    %get3A_59 = arith.constant 0 : index
    %get3A_60 = arith.constant 0 : index
    %get3A_61 = vector.load %arg5[%get3A_58, %get3A_59, %get3A_60] : memref<6x154x154xf32, #tpu.memory_space<vmem>>, vector<1x154x154xf32>
    %get3A_62 = vector.shape_cast %get3A_61 : vector<1x154x154xf32> to vector<154x154xf32>
    %dot_general3A_63 = arith.constant dense<0.000000e+00> : vector<64x154xf32>
    %dot_general3A_64 = tpu.matmul %max3A_57, %get3A_62, %dot_general3A_63 {dimension_numbers = #tpu.dot_dimension_numbers<[1], [0], [0], [1], [0, 0, 1, 1], [], []>, transpose_lhs_hint = false} : vector<64x154xf32>, vector<154x154xf32>, vector<64x154xf32> -> vector<64x154xf32>
    %get3A_65 = arith.constant 1 : index
    %get3A_66 = arith.constant 0 : index
    %get3A_67 = arith.constant 0 : index
    %get3A_68 = vector.load %arg6[%get3A_65, %get3A_66, %get3A_67] : memref<6x1x154xf32, #tpu.memory_space<vmem>>, vector<1x1x154xf32>
    %get3A_69 = vector.shape_cast %get3A_68 : vector<1x1x154xf32> to vector<1x154xf32>
    %add3A_70 = vector.broadcast %get3A_69 : vector<1x154xf32> to vector<64x154xf32>
    %add3A_71 = arith.addf %dot_general3A_64, %add3A_70 : vector<64x154xf32>
    %add3A_72 = arith.addf %add3A_40, %add3A_71 : vector<64x154xf32>
    %get3A_73 = arith.constant 2 : index
    %get3A_74 = arith.constant 0 : index
    %get3A_75 = arith.constant 0 : index
    %get3A_76 = vector.load %arg3[%get3A_73, %get3A_74, %get3A_75] : memref<6x154x154xf32, #tpu.memory_space<vmem>>, vector<1x154x154xf32>
    %get3A_77 = vector.shape_cast %get3A_76 : vector<1x154x154xf32> to vector<154x154xf32>
    %dot_general3A_78 = arith.constant dense<0.000000e+00> : vector<64x154xf32>
    %dot_general3A_79 = tpu.matmul %add3A_72, %get3A_77, %dot_general3A_78 {dimension_numbers = #tpu.dot_dimension_numbers<[1], [0], [0], [1], [0, 0, 1, 1], [], []>, transpose_lhs_hint = false} : vector<64x154xf32>, vector<154x154xf32>, vector<64x154xf32> -> vector<64x154xf32>
    %get3A_80 = arith.constant 2 : index
    %get3A_81 = arith.constant 0 : index
    %get3A_82 = arith.constant 0 : index
    %get3A_83 = vector.load %arg4[%get3A_80, %get3A_81, %get3A_82] : memref<6x1x154xf32, #tpu.memory_space<vmem>>, vector<1x1x154xf32>
    %get3A_84 = vector.shape_cast %get3A_83 : vector<1x1x154xf32> to vector<1x154xf32>
    %add3A_85 = vector.broadcast %get3A_84 : vector<1x154xf32> to vector<64x154xf32>
    %add3A_86 = arith.addf %dot_general3A_79, %add3A_85 : vector<64x154xf32>
    %max3A_87 = arith.constant 0.000000e+00 : f32
    %max3A_88 = vector.broadcast %max3A_87 : f32 to vector<64x154xf32>
    %max3A_89 = arith.maximumf %add3A_86, %max3A_88 : vector<64x154xf32>
    %get3A_90 = arith.constant 2 : index
    %get3A_91 = arith.constant 0 : index
    %get3A_92 = arith.constant 0 : index
    %get3A_93 = vector.load %arg5[%get3A_90, %get3A_91, %get3A_92] : memref<6x154x154xf32, #tpu.memory_space<vmem>>, vector<1x154x154xf32>
    %get3A_94 = vector.shape_cast %get3A_93 : vector<1x154x154xf32> to vector<154x154xf32>
    %dot_general3A_95 = arith.constant dense<0.000000e+00> : vector<64x154xf32>
    %dot_general3A_96 = tpu.matmul %max3A_89, %get3A_94, %dot_general3A_95 {dimension_numbers = #tpu.dot_dimension_numbers<[1], [0], [0], [1], [0, 0, 1, 1], [], []>, transpose_lhs_hint = false} : vector<64x154xf32>, vector<154x154xf32>, vector<64x154xf32> -> vector<64x154xf32>
    %get3A_97 = arith.constant 2 : index
    %get3A_98 = arith.constant 0 : index
    %get3A_99 = arith.constant 0 : index
    %get3A_100 = vector.load %arg6[%get3A_97, %get3A_98, %get3A_99] : memref<6x1x154xf32, #tpu.memory_space<vmem>>, vector<1x1x154xf32>
    %get3A_101 = vector.shape_cast %get3A_100 : vector<1x1x154xf32> to vector<1x154xf32>
    %add3A_102 = vector.broadcast %get3A_101 : vector<1x154xf32> to vector<64x154xf32>
    %add3A_103 = arith.addf %dot_general3A_96, %add3A_102 : vector<64x154xf32>
    %add3A_104 = arith.addf %add3A_72, %add3A_103 : vector<64x154xf32>
    %get3A_105 = arith.constant 3 : index
    %get3A_106 = arith.constant 0 : index
    %get3A_107 = arith.constant 0 : index
    %get3A_108 = vector.load %arg3[%get3A_105, %get3A_106, %get3A_107] : memref<6x154x154xf32, #tpu.memory_space<vmem>>, vector<1x154x154xf32>
    %get3A_109 = vector.shape_cast %get3A_108 : vector<1x154x154xf32> to vector<154x154xf32>
    %dot_general3A_110 = arith.constant dense<0.000000e+00> : vector<64x154xf32>
    %dot_general3A_111 = tpu.matmul %add3A_104, %get3A_109, %dot_general3A_110 {dimension_numbers = #tpu.dot_dimension_numbers<[1], [0], [0], [1], [0, 0, 1, 1], [], []>, transpose_lhs_hint = false} : vector<64x154xf32>, vector<154x154xf32>, vector<64x154xf32> -> vector<64x154xf32>
    %get3A_112 = arith.constant 3 : index
    %get3A_113 = arith.constant 0 : index
    %get3A_114 = arith.constant 0 : index
    %get3A_115 = vector.load %arg4[%get3A_112, %get3A_113, %get3A_114] : memref<6x1x154xf32, #tpu.memory_space<vmem>>, vector<1x1x154xf32>
    %get3A_116 = vector.shape_cast %get3A_115 : vector<1x1x154xf32> to vector<1x154xf32>
    %add3A_117 = vector.broadcast %get3A_116 : vector<1x154xf32> to vector<64x154xf32>
    %add3A_118 = arith.addf %dot_general3A_111, %add3A_117 : vector<64x154xf32>
    %max3A_119 = arith.constant 0.000000e+00 : f32
    %max3A_120 = vector.broadcast %max3A_119 : f32 to vector<64x154xf32>
    %max3A_121 = arith.maximumf %add3A_118, %max3A_120 : vector<64x154xf32>
    %get3A_122 = arith.constant 3 : index
    %get3A_123 = arith.constant 0 : index
    %get3A_124 = arith.constant 0 : index
    %get3A_125 = vector.load %arg5[%get3A_122, %get3A_123, %get3A_124] : memref<6x154x154xf32, #tpu.memory_space<vmem>>, vector<1x154x154xf32>
    %get3A_126 = vector.shape_cast %get3A_125 : vector<1x154x154xf32> to vector<154x154xf32>
    %dot_general3A_127 = arith.constant dense<0.000000e+00> : vector<64x154xf32>
    %dot_general3A_128 = tpu.matmul %max3A_121, %get3A_126, %dot_general3A_127 {dimension_numbers = #tpu.dot_dimension_numbers<[1], [0], [0], [1], [0, 0, 1, 1], [], []>, transpose_lhs_hint = false} : vector<64x154xf32>, vector<154x154xf32>, vector<64x154xf32> -> vector<64x154xf32>
    %get3A_129 = arith.constant 3 : index
    %get3A_130 = arith.constant 0 : index
    %get3A_131 = arith.constant 0 : index
    %get3A_132 = vector.load %arg6[%get3A_129, %get3A_130, %get3A_131] : memref<6x1x154xf32, #tpu.memory_space<vmem>>, vector<1x1x154xf32>
    %get3A_133 = vector.shape_cast %get3A_132 : vector<1x1x154xf32> to vector<1x154xf32>
    %add3A_134 = vector.broadcast %get3A_133 : vector<1x154xf32> to vector<64x154xf32>
    %add3A_135 = arith.addf %dot_general3A_128, %add3A_134 : vector<64x154xf32>
    %add3A_136 = arith.addf %add3A_104, %add3A_135 : vector<64x154xf32>
    %get3A_137 = arith.constant 4 : index
    %get3A_138 = arith.constant 0 : index
    %get3A_139 = arith.constant 0 : index
    %get3A_140 = vector.load %arg3[%get3A_137, %get3A_138, %get3A_139] : memref<6x154x154xf32, #tpu.memory_space<vmem>>, vector<1x154x154xf32>
    %get3A_141 = vector.shape_cast %get3A_140 : vector<1x154x154xf32> to vector<154x154xf32>
    %dot_general3A_142 = arith.constant dense<0.000000e+00> : vector<64x154xf32>
    %dot_general3A_143 = tpu.matmul %add3A_136, %get3A_141, %dot_general3A_142 {dimension_numbers = #tpu.dot_dimension_numbers<[1], [0], [0], [1], [0, 0, 1, 1], [], []>, transpose_lhs_hint = false} : vector<64x154xf32>, vector<154x154xf32>, vector<64x154xf32> -> vector<64x154xf32>
    %get3A_144 = arith.constant 4 : index
    %get3A_145 = arith.constant 0 : index
    %get3A_146 = arith.constant 0 : index
    %get3A_147 = vector.load %arg4[%get3A_144, %get3A_145, %get3A_146] : memref<6x1x154xf32, #tpu.memory_space<vmem>>, vector<1x1x154xf32>
    %get3A_148 = vector.shape_cast %get3A_147 : vector<1x1x154xf32> to vector<1x154xf32>
    %add3A_149 = vector.broadcast %get3A_148 : vector<1x154xf32> to vector<64x154xf32>
    %add3A_150 = arith.addf %dot_general3A_143, %add3A_149 : vector<64x154xf32>
    %max3A_151 = arith.constant 0.000000e+00 : f32
    %max3A_152 = vector.broadcast %max3A_151 : f32 to vector<64x154xf32>
    %max3A_153 = arith.maximumf %add3A_150, %max3A_152 : vector<64x154xf32>
    %get3A_154 = arith.constant 4 : index
    %get3A_155 = arith.constant 0 : index
    %get3A_156 = arith.constant 0 : index
    %get3A_157 = vector.load %arg5[%get3A_154, %get3A_155, %get3A_156] : memref<6x154x154xf32, #tpu.memory_space<vmem>>, vector<1x154x154xf32>
    %get3A_158 = vector.shape_cast %get3A_157 : vector<1x154x154xf32> to vector<154x154xf32>
    %dot_general3A_159 = arith.constant dense<0.000000e+00> : vector<64x154xf32>
    %dot_general3A_160 = tpu.matmul %max3A_153, %get3A_158, %dot_general3A_159 {dimension_numbers = #tpu.dot_dimension_numbers<[1], [0], [0], [1], [0, 0, 1, 1], [], []>, transpose_lhs_hint = false} : vector<64x154xf32>, vector<154x154xf32>, vector<64x154xf32> -> vector<64x154xf32>
    %get3A_161 = arith.constant 4 : index
    %get3A_162 = arith.constant 0 : index
    %get3A_163 = arith.constant 0 : index
    %get3A_164 = vector.load %arg6[%get3A_161, %get3A_162, %get3A_163] : memref<6x1x154xf32, #tpu.memory_space<vmem>>, vector<1x1x154xf32>
    %get3A_165 = vector.shape_cast %get3A_164 : vector<1x1x154xf32> to vector<1x154xf32>
    %add3A_166 = vector.broadcast %get3A_165 : vector<1x154xf32> to vector<64x154xf32>
    %add3A_167 = arith.addf %dot_general3A_160, %add3A_166 : vector<64x154xf32>
    %add3A_168 = arith.addf %add3A_136, %add3A_167 : vector<64x154xf32>
    %get3A_169 = arith.constant 5 : index
    %get3A_170 = arith.constant 0 : index
    %get3A_171 = arith.constant 0 : index
    %get3A_172 = vector.load %arg3[%get3A_169, %get3A_170, %get3A_171] : memref<6x154x154xf32, #tpu.memory_space<vmem>>, vector<1x154x154xf32>
    %get3A_173 = vector.shape_cast %get3A_172 : vector<1x154x154xf32> to vector<154x154xf32>
    %dot_general3A_174 = arith.constant dense<0.000000e+00> : vector<64x154xf32>
    %dot_general3A_175 = tpu.matmul %add3A_168, %get3A_173, %dot_general3A_174 {dimension_numbers = #tpu.dot_dimension_numbers<[1], [0], [0], [1], [0, 0, 1, 1], [], []>, transpose_lhs_hint = false} : vector<64x154xf32>, vector<154x154xf32>, vector<64x154xf32> -> vector<64x154xf32>
    %get3A_176 = arith.constant 5 : index
    %get3A_177 = arith.constant 0 : index
    %get3A_178 = arith.constant 0 : index
    %get3A_179 = vector.load %arg4[%get3A_176, %get3A_177, %get3A_178] : memref<6x1x154xf32, #tpu.memory_space<vmem>>, vector<1x1x154xf32>
    %get3A_180 = vector.shape_cast %get3A_179 : vector<1x1x154xf32> to vector<1x154xf32>
    %add3A_181 = vector.broadcast %get3A_180 : vector<1x154xf32> to vector<64x154xf32>
    %add3A_182 = arith.addf %dot_general3A_175, %add3A_181 : vector<64x154xf32>
    %max3A_183 = arith.constant 0.000000e+00 : f32
    %max3A_184 = vector.broadcast %max3A_183 : f32 to vector<64x154xf32>
    %max3A_185 = arith.maximumf %add3A_182, %max3A_184 : vector<64x154xf32>
    %get3A_186 = arith.constant 5 : index
    %get3A_187 = arith.constant 0 : index
    %get3A_188 = arith.constant 0 : index
    %get3A_189 = vector.load %arg5[%get3A_186, %get3A_187, %get3A_188] : memref<6x154x154xf32, #tpu.memory_space<vmem>>, vector<1x154x154xf32>
    %get3A_190 = vector.shape_cast %get3A_189 : vector<1x154x154xf32> to vector<154x154xf32>
    %dot_general3A_191 = arith.constant dense<0.000000e+00> : vector<64x154xf32>
    %dot_general3A_192 = tpu.matmul %max3A_185, %get3A_190, %dot_general3A_191 {dimension_numbers = #tpu.dot_dimension_numbers<[1], [0], [0], [1], [0, 0, 1, 1], [], []>, transpose_lhs_hint = false} : vector<64x154xf32>, vector<154x154xf32>, vector<64x154xf32> -> vector<64x154xf32>
    %get3A_193 = arith.constant 5 : index
    %get3A_194 = arith.constant 0 : index
    %get3A_195 = arith.constant 0 : index
    %get3A_196 = vector.load %arg6[%get3A_193, %get3A_194, %get3A_195] : memref<6x1x154xf32, #tpu.memory_space<vmem>>, vector<1x1x154xf32>
    %get3A_197 = vector.shape_cast %get3A_196 : vector<1x1x154xf32> to vector<1x154xf32>
    %add3A_198 = vector.broadcast %get3A_197 : vector<1x154xf32> to vector<64x154xf32>
    %add3A_199 = arith.addf %dot_general3A_192, %add3A_198 : vector<64x154xf32>
    %add3A_200 = arith.addf %add3A_168, %add3A_199 : vector<64x154xf32>
    %get3A_201 = arith.constant 0 : index
    %get3A_202 = arith.constant 0 : index
    %get3A_203 = vector.load %arg7[%get3A_201, %get3A_202] : memref<154x7xf32, #tpu.memory_space<vmem>>, vector<154x7xf32>
    %dot_general3A_204 = arith.constant dense<0.000000e+00> : vector<64x7xf32>
    %dot_general3A_205 = tpu.matmul %add3A_200, %get3A_203, %dot_general3A_204 {dimension_numbers = #tpu.dot_dimension_numbers<[1], [0], [0], [1], [0, 0, 1, 1], [], []>, transpose_lhs_hint = false} : vector<64x154xf32>, vector<154x7xf32>, vector<64x7xf32> -> vector<64x7xf32>
    %get3A_206 = arith.constant 0 : index
    %get3A_207 = arith.constant 0 : index
    %get3A_208 = vector.load %arg8[%get3A_206, %get3A_207] : memref<1x7xf32, #tpu.memory_space<vmem>>, vector<1x7xf32>
    %add3A_209 = vector.broadcast %get3A_208 : vector<1x7xf32> to vector<64x7xf32>
    %add3A_210 = arith.addf %dot_general3A_205, %add3A_209 : vector<64x7xf32>
    %swap3A = arith.constant 0 : index
    %swap3A_211 = arith.constant 0 : index
    %swap3A_212 = vector.load %arg11[%swap3A, %swap3A_211] : memref<64x7xf32, #tpu.memory_space<vmem>>, vector<64x7xf32>
    tpu.vector_store %arg11[%swap3A, %swap3A_211], %add3A_210 {strides = array<i32>} : memref<64x7xf32, #tpu.memory_space<vmem>>, vector<64x7xf32>,
    %get3A_213 = arith.constant 0 : index
    %get3A_214 = arith.constant 0 : index
    %get3A_215 = vector.load %arg9[%get3A_213, %get3A_214] : memref<154x1xf32, #tpu.memory_space<vmem>>, vector<154x1xf32>
    %dot_general3A_216 = arith.constant dense<0.000000e+00> : vector<64x1xf32>
    %dot_general3A_217 = tpu.matmul %add3A_200, %get3A_215, %dot_general3A_216 {dimension_numbers = #tpu.dot_dimension_numbers<[1], [0], [0], [1], [0, 0, 1, 1], [], []>, transpose_lhs_hint = false} : vector<64x154xf32>, vector<154x1xf32>, vector<64x1xf32> -> vector<64x1xf32>
    %get3A_218 = arith.constant 0 : index
    %get3A_219 = arith.constant 0 : index
    %get3A_220 = vector.load %arg10[%get3A_218, %get3A_219] : memref<1x1xf32, #tpu.memory_space<vmem>>, vector<1x1xf32>
    %add3A_221 = vector.broadcast %get3A_220 : vector<1x1xf32> to vector<64x1xf32>
    %add3A_222 = arith.addf %dot_general3A_217, %add3A_221 : vector<64x1xf32>
    %swap3A_223 = arith.constant 0 : index
    %swap3A_224 = arith.constant 0 : index
    %swap3A_225 = vector.load %arg12[%swap3A_223, %swap3A_224] : memref<64x1xf32, #tpu.memory_space<vmem>>, vector<64x1xf32>
    tpu.vector_store %arg12[%swap3A_223, %swap3A_224], %add3A_222 {strides = array<i32>} : memref<64x1xf32, #tpu.memory_space<vmem>>, vector<64x1xf32>,
    return
  }
}

</mosaic_0001>

<sc_bundles>
// kernel: kernel.11.cloned.1.call-start
scs
__scs_entry_jumppad:
0x0: {  	(pc) =	sbr.rel $0x88, $3  }
0x1: {  	(tag) =	ssettag $0x0;
	lr =	simm.s32 $0x1  }
0x2: {  	[smem:$0x3F73] =	sst lr;
	_ =	strace $0xD0000000  }
0x3: {  	_ = 	snop  }
0x4: {  	_ = 	snop  }
0x5: {  	_ = 	snop  }
0x6: {  	_ = 	snop  }
0x7: {  	_ = 	snop  }
__scs_overlays_trampoline_lowered:
0x8: {  	[smem:$0x3F82] =	sst s0  }
0x9: {  	[smem:$0x3F83] =	sst s1  }
0xa: {  	[smem:$0x3F84] =	sst s2  }
0xb: {  	[smem:$0x3F85] =	sst s3  }
0xc: {  	[smem:$0x3F86] =	sst s4  }
0xd: {  	[smem:$0x3F87] =	sst s5  }
0xe: {  	[smem:$0x3F88] =	sst s6  }
0xf: {  	[smem:$0x3F89] =	sst s7  }
0x10: {  	[smem:$0x3F8A] =	sst s8  }
0x11: {  	[smem:$0x3F8B] =	sst s9;
	s0 =	simm.s32 @!p0 $0x0  }
0x12: {  	s1 =	sld [smem:$0x3F71];
	s0 =	simm.s32 @p0 $0x1  }
0x13: {  	[smem:$0x3F8C] =	sst s0;
	s0 =	simm.s32 @!p1 $0x0  }
0x14: {  	s2 =	sld [smem:$0x3F70];
	s0 =	simm.s32 @p1 $0x1  }
0x15: {  	[smem:$0x3F8D] =	sst s0;
	s0 =	simm.s32 @!p2 $0x0  }
0x16: {  	s3 =	sld [smem:$0x3FDB];
	s0 =	simm.s32 @p2 $0x1  }
0x17: {  	s4 =	simm.s32 $0x1BF5;
	[smem:$0x3F8F] =	sst s0  }
0x18: {  	s0 =	sld [smem:$0x3F72];
	_ =	swait.ge [sflag:s4], $0x0  }
0x19: {  	s7 =	sld [smem:$0x3F73]  }
0x1a: {  	s8 =	sadd.s32 $0xFFFFE003, lr  }
0x1b: {  	s9 =	sadd.s32 $0xFFFFFEF7, lr;
	s5 =	simm.s32 $0xFFFFFFFF;
	p2 =	slt.u32 s8, $0xFFFFF086  }
0x1c: {  	p1 =	slt.u32 s9, $0xF7A;
	s5 =	simm.s32 @!p2 $0x0  }
0x1d: {  	s5 =	simm.s32 @p1 $0x1;
	p0 =	seq.s32 s7, s2  }
0x1e: {  	s7 =	smul.u32 @!p0 $0xF7A, s2;
	p2 =	seq.s32 @!p0 s5, $0x0  }
0x1f: {  	s9 =	smul.u32 $0xF7A, s1;
	s8 =	simm.s32 @!p0 $0x1BF5;
	p2 =	por !p2, p0  }
0x20: {  	[sflag:s8] =	ssyncset.s32 @!p0 $0xFFFFF086;
	s6 =	sadd.s32 @!p0 s3, s7;
	s7 =	simm.s32 @!p0 $0x108  }
0x21: {  	s3 =	sadd.s32 s3, s9;
	s6 =	sadd.s32 @!p0 $0x88, s6;
	s7 =	simm.s32 @p2 $0x1082  }
0x22: {  	[simem:s7], [sflag:s8] =	dma.local @!p0 [hbm:s6], $0xF7A  }
0x23: {  	s9 =	sor.u32 $0xD0000000, s2;
	s6 =	simm.s32 $0x108;
	_ =	swait.ge @!p0 [sflag:s8], $0x0  }
0x24: {  	s3 =	sadd.s32 $0x88, s3;
	s6 =	simm.s32 @!p1 $0x1082;
	[sflag:s4] =	ssyncset.s32 $0xFFFFF086  }
0x25: {  	[simem:s6], [sflag:s4] =	dma.local [hbm:s3], $0xF7A  }
0x26: {  	[smem:$0x3F73] =	sst s1;
	(tag) =	ssettag s2;
	_ =	strace s9  }
0x27: {  	s1 =	sld [smem:$0x3F83]  }
0x28: {  	s2 =	sld [smem:$0x3F84]  }
0x29: {  	s4 =	sld [smem:$0x3F86]  }
0x2a: {  	p0 =	seq.s32 s5, $0x0;
	s5 =	sld [smem:$0x3F87]  }
0x2b: {  	s6 =	sld [smem:$0x3F88]  }
0x2c: {  	s7 =	sld [smem:$0x3F89]  }
0x2d: {  	s3 =	simm.s32 $0x108;
	s8 =	sld [smem:$0x3F8A]  }
0x2e: {  	s3 =	simm.s32 @!p0 $0x1082;
	s9 =	sld [smem:$0x3F8B]  }
0x2f: {  	lr =	sadd.s32 s0, s3;
	s0 =	sld [smem:$0x3F82]  }
0x30: {  	s3 =	sld [smem:$0x3F85]  }
0x31: {  	[smem:$0x3F8E] =	sst s10  }
0x32: {  	s10 =	sld [smem:$0x3F8C];
	_ =	sdelay $0x3  }
0x33: {  	p0 =	seq.s32 s10, $0x1;
	s10 =	sld [smem:$0x3F8E];
	_ =	sdelay $0x3  }
0x34: {  	[smem:$0x3F8E] =	sst s10  }
0x35: {  	s10 =	sld [smem:$0x3F8D];
	_ =	sdelay $0x3  }
0x36: {  	p1 =	seq.s32 s10, $0x1;
	s10 =	sld [smem:$0x3F8E];
	_ =	sdelay $0x3  }
0x37: {  	[smem:$0x3F8E] =	sst s10  }
0x38: {  	s10 =	sld [smem:$0x3F8F]  }
0x39: {  	_ = 	snop;
	(pc) =	sbr.ind lr, $3  }
0x3a: {  	_ = 	snop  }
0x3b: {  	_ = 	snop  }
0x3c: {  	p2 =	seq.s32 s10, $0x1;
	s10 =	sld [smem:$0x3F8E]  }
0x3d: {  	_ =	shalt  }
0x3e: {  	_ =	shalt  }
0x3f: {  	_ =	shalt  }
0x40: {  	_ =	shalt  }
0x41: {  	_ =	shalt  }
0x42: {  	_ =	shalt  }
0x43: {  	_ =	shalt  }
0x44: {  	_ =	shalt  }
0x45: {  	_ =	shalt  }
0x46: {  	_ =	shalt  }
0x47: {  	_ =	shalt  }
0x48: {  	_ =	shalt  }
0x49: {  	_ =	shalt  }
0x4a: {  	_ =	shalt  }
0x4b: {  	_ =	shalt  }
0x4c: {  	_ =	shalt  }
0x4d: {  	_ =	shalt  }
0x4e: {  	_ =	shalt  }
0x4f: {  	_ =	shalt  }
0x50: {  	_ =	shalt  }
0x51: {  	_ =	shalt  }
0x52: {  	_ =	shalt  }
0x53: {  	_ =	shalt  }
0x54: {  	_ =	shalt  }
0x55: {  	_ =	shalt  }
0x56: {  	_ =	shalt  }
0x57: {  	_ =	shalt  }
0x58: {  	_ =	shalt  }
0x59: {  	_ =	shalt  }
0x5a: {  	_ =	shalt  }
0x5b: {  	_ =	shalt  }
0x5c: {  	_ =	shalt  }
0x5d: {  	_ =	shalt  }
0x5e: {  	_ =	shalt  }
0x5f: {  	_ =	shalt  }
0x60: {  	_ =	shalt  }
0x61: {  	_ =	shalt  }
0x62: {  	_ =	shalt  }
0x63: {  	_ =	shalt  }
0x64: {  	_ =	shalt  }
0x65: {  	_ =	shalt  }
0x66: {  	_ =	shalt  }
0x67: {  	_ =	shalt  }
0x68: {  	_ =	shalt  }
0x69: {  	_ =	shalt  }
0x6a: {  	_ =	shalt  }
0x6b: {  	_ =	shalt  }
0x6c: {  	_ =	shalt  }
0x6d: {  	_ =	shalt  }
0x6e: {  	_ =	shalt  }
0x6f: {  	_ =	shalt  }
0x70: {  	_ =	shalt  }
0x71: {  	_ =	shalt  }
0x72: {  	_ =	shalt  }
0x73: {  	_ =	shalt  }
0x74: {  	_ =	shalt  }
0x75: {  	_ =	shalt  }
0x76: {  	_ =	shalt  }
0x77: {  	_ =	shalt  }
0x78: {  	_ =	shalt  }
0x79: {  	_ =	shalt  }
0x7a: {  	_ =	shalt  }
0x7b: {  	_ =	shalt  }
0x7c: {  	_ =	shalt  }
0x7d: {  	_ =	shalt  }
0x7e: {  	_ =	shalt  }
0x7f: {  	_ =	shalt  }
0x80: {  	_ =	shalt  }
0x81: {  	_ =	shalt  }
0x82: {  	_ =	shalt  }
0x83: {  	_ =	shalt  }
0x84: {  	_ =	shalt  }
0x85: {  	_ =	shalt  }
0x86: {  	_ =	shalt  }
0x87: {  	_ =	shalt  }
.Lfunc_end0:
.L_simem_size_0:
called_computation_lowered:
.L_overlay_start_0:
0x88: {  	s2 =	sld [smem:$0x3FD9]  }
0x89: {  	s3 =	sld [smem:$0x3FFE];
	_ =	sdelay $0x1  }
0x8a: {  	s1 =	srdreg.scid  }
0x8b: {  	s0 =	sand.u32 $0x1, s1  }
0x8c: {  	s16 =	sshll.u32 s0, $0xA;
	s2 =	sadd.s32 s3, s2  }
0x8d: {  	s2 =	sadd.s32 s2, s16  }
0x8e: {  	[smem:$0x3F9A] =	sst s2  }
0x8f: {  	_ = 	snop  }
0x90: {  	(tm) =	ssettm $0x1  }
0x91: {  	s17 =	sld [smem:$0x3FFB];
	_ =	sdelay $0x3  }
0x92: {  	_ =	strace s17  }
0x93: {  	s2 =	sld [smem:$0x3FFC];
	_ =	sdelay $0x3  }
0x94: {  	_ =	strace s2  }
0x95: {  	s2 =	sld [smem:$0x3FFD];
	_ =	sdelay $0x3  }
0x96: {  	_ =	strace s2  }
0x97: {  	_ =	strace $0x8FFFFFFF  }
0x98: {  	s18 =	sld [smem:$0x3FDB];
	_ =	sdelay $0x1  }
0x99: {  	s19 =	simm.s32 $_scs_section_size  }
0x9a: {  	s4 =	simm.s32 $_size__tile_overlayer_lowered;
	s5 =	simm.s32 $_tile_overlayer_lowered  }
0x9b: {  	s22 =	simm.s32 $0x1BFF;
	s21 =	sshll.u32 s5, $0x1;
	s2 =	sadd.s32 s19, s18  }
0x9c: {  	s6 =	simm.s32 $0x0;
	s20 =	sshll.u32 s4, $0x1;
	s4 =	sadd.s32 s21, s2  }
0x9d: {  	[timem:s6], [sflag:s22] =	dma.local [hbm:s4], s20  }
0x9e: {  	_ =	swait.ge [sflag:s22], s20  }
0x9f: {  	s3 =	ssub.s32 $0x0, s20;
	[sflag:s22] =	ssyncset.done $0x0  }
0xa0: {  	[sflag:s22] =	ssyncadd.s32 s3;
	_ =	sdelay $0x1  }
0xa1: {  	s23 =	simm.s32 $0x1B8B  }
0xa2: {  	_ =	swait.ge [sflag:s23], $0x1  }
0xa3: {  	[sflag:s23] =	ssyncset.done $0x0  }
0xa4: {  	s25 =	simm.s32 $0x1B8E;
	s24 =	sld [smem:$0x3FFE];
	[sflag:s23] =	ssyncadd.s32 $0xFFFFFFFF  }
0xa5: {  	s26 =	simm.s32 $execute0_lowered;
	[smem:$0x3FD2] =	sst s25  }
0xa6: {  	s4 =	sshll.u32 s26, $0x1;
	_ =	strace $0x80000046;
	[dreg:$0x1] =	wrdreg $0xFFFFFFFF  }
0xa7: {  	s28 =	simm.s32 $_size_execute0_lowered;
	s2 =	sadd.s32 s2, s4;
	[dreg:$0x0] =	wrdreg $0x0  }
0xa8: {  	s4 =	sshll.u32 s28, $0x1;
	[dreg:$0x2] =	wrdreg s2  }
0xa9: {  	[dreg:$0x3] =	wrdreg s4  }
0xaa: {  	[dreg:$0x4] =	wrdreg $0xC0  }
0xab: {  	_ =	task [dreg:s6], $0x5FFFF  }
0xac: {  	[dreg:$0x1] =	wrdreg $0xFFFFFFFF  }
0xad: {  	[dreg:$0x0] =	wrdreg $0x60  }
0xae: {  	[dreg:$0x2] =	wrdreg s24  }
0xaf: {  	[dreg:$0x3] =	wrdreg $0x9  }
0xb0: {  	_ =	task.clear_ibuf [dreg:s6], $0x4FFFF;
	_ =	strace $0x90000046  }
0xb1: {  	s29 =	simm.s32 $0x9;
	_ =	strace $0x80000048  }
0xb2: {  	_ =	swait.ge [sflag:s29], $0x1  }
0xb3: {  	[sflag:s29] =	ssyncadd.s32 $0xFFFFFFFF  }
0xb4: {  	_ =	strace $0x90000048  }
0xb5: {  	_ =	sfence  }
0xb6: {  	s30 =	sld [smem:$0x0];
	_ =	sdelay $0x2  }
0xb7: {  	s31 =	sshll.u32 s1, $0xD;
	s1 =	sshrl.u32 s1, $0x2  }
0xb8: {  	s3 =	sand.u32 $0x4000, s31;
	s1 =	sadd.s32 s1, s30  }
0xb9: {  	s0 =	sor.u32 s3, s0;
	s1 =	sshll.u32 s1, $0x11  }
0xba: {  	s0 =	sor.u32 s1, s0  }
0xbb: {  	s0 =	sadd.s32 $0x8F2B, s0  }
0xbc: {  	[sflag:s0] =	ssyncadd.remote.s32 $0x1  }
0xbd: {  	_ =	sfence.sel $0xFFFF  }
0xbe: {  	[dreg:$0x0] =	wrdreg $0xFFFFFFFF;
	(pc) =	sbr.abs _section_cstart, $3  }
0xbf: {  	[dreg:$0x1] =	wrdreg $0xFFFFFFFF  }
0xc0: {  	_ =	task.clear_ibuf [dreg:s6], $0x2FFFF;
	_ =	strace $0x9FFFFFFF  }
0xc1: {  	(tm) =	ssettm $0x7FFFFFFF  }
tec
execute0_lowered:
.L_overlay_start_1:
0x0: {  	(tag) =	ssettag $0x1  }
0x1: {  	s1 =	srdreg.scid;
	s0 =	stileid.u32  }
0x2: {  	s5 =	rddreg [dreg:$0x0];
	s2 =	simm.s32 $0x0;
	s8 =	simm.s32 $0x80  }
0x3: {  	s9 =	simm.s32 $0x1;
	s4 =	sand.u32 $0x1, s1;
	s30 =	sshll.u32 s0, $0x1  }
0x4: {  	s10 =	simm.s32 $0x1400;
	s1 =	rddreg [dreg:$0x1];
	s3 =	sor.u32 s4, s30  }
0x5: {  	s11 =	simm.s32 $0x0;
	[smem:$0x7FF] =	sst s2;
	s6 =	smul.u32 $0x280, s3  }
0x6: {  	_ =	strace $0x80000047;
	s4 =	ssub.s32 $0x2, s4;
	s7 =	smul.u32 $0x2800, s3  }
0x7: {  	s3 =	sadd.s32 $0x2F800, s5;
	s31 =	sshrl.u32 s4, $0x1;
	s6 =	sadd.s32 s6, s5  }
0x8: {  	s5 =	sadd.s32 s7, s5;
	s7 =	ssub.s32 s4, s31;
	s4 =	sadd.s32 $0x34800, s6  }
0x9: {  	s5 =	sadd.s32 $0x39800, s5;
	s6 =	smax.u32 s7, $0x1;
	s7 =	simm.s32 $0x2  }
.LBB2_1:
0xa: {  	[tilespmem:s2], [sflag:$0x2] =	stream.linear.gather [hbm4b:s4+s2], $0x1400, $0x38;
	[tilespmem:$0x15400] =	vst v63  }
0xb: {  	_ =	swait.ge [sflag:s7], $0x1400  }
0xc: {  	s12 =	simm.s32 $0x200;
	s15 =	simm.s32 $0x0;
	[sflag:s7] =	ssyncset.done $0x0  }
0xd: {  	s13 =	simm.s32 $0x1C00;
	s14 =	simm.s32 $0x1400;
	[sflag:s7] =	ssyncadd.s32 $0xFFFFEC00  }
.LBB2_2:
0xe: {  	[tilespmem:s14], [sflag:$0x1] =	stream.indirect.gather [hbm4b:s3+s8], $0x10, s15, s8, $0xb8;
	[tilespmem:$0x15400] =	vst v63  }
0xf: {  	s15 =	smov.u32 s12;
	s14 =	smov.u32 s13;
	p0 =	sne.s32 s12, $0x4E00  }
.Ltmp0:
0x10: {  	s12 =	sadd.s32 $0x200, s12;
	(pc) =	sbr.rel @p0 .LBB2_2-.Ltmp0, $2  }
0x11: {  	_ =	sdelay $0x2  }
0x12: {  	s13 =	sadd.s32 $0x800, s13;
	s15 =	sshra.s32 s15, $0x2  }
0x13: {  	[tilespmem:s14], [sflag:$0x1] =	stream.indirect.gather [hbm4b:s3+s8], $0x10, s15, s8, $0xb8;
	[tilespmem:$0x15400] =	vst v63  }
0x14: {  	s11 =	sadd.s32 $0x1, s11;
	_ =	swait.ge [sflag:s9], $0x14000  }
0x15: {  	p0 =	sne.s32 s11, s6;
	[sflag:s9] =	ssyncset.done $0x0  }
.Ltmp1:
0x16: {  	[sflag:s9] =	ssyncadd.s32 $0xFFFEC000;
	(pc) =	sbr.rel @p0 .LBB2_1-.Ltmp1, $4  }
0x17: {  	[hbm4b:s5+s2] =	stream.linear.scatter [tilespmem:s10], [sflag:$0x2], $0x14000, $0x38;
	[tilespmem:$0x15400] =	vst v63  }
0x18: {  	_ =	swait.ge [sflag:s7], $0x14000  }
0x19: {  	[sflag:s7] =	ssyncset.done $0x0  }
0x1a: {  	[sflag:s7] =	ssyncadd.s32 $0xFFFEC000  }
0x1b: {  	_ =	sfence.sel $0x180000  }
0x1c: {  	[bflag:$0x0] =	sbarrier.arrive $0xFFFF  }
0x1d: {  	p0 =	sne.s32 s0, $0x0;
	_ =	strace $0x90000047  }
0x1e: {  	s0 =	sadd.s32 @!p0 $0x100000, s1;
	[bflag:$0x2] =	sbarrier.arrive $0xFFFF  }
0x1f: {  	[sflag:s0] =	ssyncadd.tile.s32 @!p0 $0x1;
	_ =	shalt  }
.Lfunc_end2:
_tile_overlayer_lowered:
.L_overlay_start_2:
0x20: {  	(tag) =	ssettag $0x2  }
0x21: {  	s0 =	rddreg [dreg:$0x0];
	s2 =	stileid.u32  }
0x22: {  	s1 =	rddreg [dreg:$0x1];
	p0 =	sne.s32 s2, $0x0  }
0x23: {  	s3 =	rddreg [dreg:$0x2];
	[bflag:$0x3] =	sbarrier.arrive $0xFFFF;
	s2 =	simm.s32 @!p0 $0x1C02  }
0x24: {  	[timem:s3], [sflag:s2] =	dma.local @!p0 [hbm:s0], s1  }
0x25: {  	s0 =	simm.s32 @!p0 $0x2  }
0x26: {  	_ =	swait.ge @!p0 [sflag:s0], s1  }
0x27: {  	s1 =	ssub.s32 @!p0 $0x0, s1;
	[sflag:s0] =	ssyncset.done @!p0 $0x0  }
0x28: {  	[sflag:s0] =	ssyncadd.s32 @!p0 s1  }
0x29: {  	[bflag:$0x3] =	sbarrier.arrive $0xFFFF  }
0x2a: {  	_ =	shalt  }

// kernel: kernel.14.cloned.1.call-start
scs
__scs_entry_jumppad:
0x0: {  	(pc) =	sbr.rel $0x88, $3  }
0x1: {  	(tag) =	ssettag $0x0;
	lr =	simm.s32 $0x1  }
0x2: {  	[smem:$0x3F73] =	sst lr;
	_ =	strace $0xD0000000  }
0x3: {  	_ = 	snop  }
0x4: {  	_ = 	snop  }
0x5: {  	_ = 	snop  }
0x6: {  	_ = 	snop  }
0x7: {  	_ = 	snop  }
__scs_overlays_trampoline_lowered:
0x8: {  	[smem:$0x3F82] =	sst s0  }
0x9: {  	[smem:$0x3F83] =	sst s1  }
0xa: {  	[smem:$0x3F84] =	sst s2  }
0xb: {  	[smem:$0x3F85] =	sst s3  }
0xc: {  	[smem:$0x3F86] =	sst s4  }
0xd: {  	[smem:$0x3F87] =	sst s5  }
0xe: {  	[smem:$0x3F88] =	sst s6  }
0xf: {  	[smem:$0x3F89] =	sst s7  }
0x10: {  	[smem:$0x3F8A] =	sst s8  }
0x11: {  	[smem:$0x3F8B] =	sst s9;
	s0 =	simm.s32 @!p0 $0x0  }
0x12: {  	s1 =	sld [smem:$0x3F71];
	s0 =	simm.s32 @p0 $0x1  }
0x13: {  	[smem:$0x3F8C] =	sst s0;
	s0 =	simm.s32 @!p1 $0x0  }
0x14: {  	s2 =	sld [smem:$0x3F70];
	s0 =	simm.s32 @p1 $0x1  }
0x15: {  	[smem:$0x3F8D] =	sst s0;
	s0 =	simm.s32 @!p2 $0x0  }
0x16: {  	s3 =	sld [smem:$0x3FDB];
	s0 =	simm.s32 @p2 $0x1  }
0x17: {  	s4 =	simm.s32 $0x1BF5;
	[smem:$0x3F8F] =	sst s0  }
0x18: {  	s0 =	sld [smem:$0x3F72];
	_ =	swait.ge [sflag:s4], $0x0  }
0x19: {  	s7 =	sld [smem:$0x3F73]  }
0x1a: {  	s8 =	sadd.s32 $0xFFFFE003, lr  }
0x1b: {  	s9 =	sadd.s32 $0xFFFFFEF7, lr;
	s5 =	simm.s32 $0xFFFFFFFF;
	p2 =	slt.u32 s8, $0xFFFFF086  }
0x1c: {  	p1 =	slt.u32 s9, $0xF7A;
	s5 =	simm.s32 @!p2 $0x0  }
0x1d: {  	s5 =	simm.s32 @p1 $0x1;
	p0 =	seq.s32 s7, s2  }
0x1e: {  	s7 =	smul.u32 @!p0 $0xF7A, s2;
	p2 =	seq.s32 @!p0 s5, $0x0  }
0x1f: {  	s9 =	smul.u32 $0xF7A, s1;
	s8 =	simm.s32 @!p0 $0x1BF5;
	p2 =	por !p2, p0  }
0x20: {  	[sflag:s8] =	ssyncset.s32 @!p0 $0xFFFFF086;
	s6 =	sadd.s32 @!p0 s3, s7;
	s7 =	simm.s32 @!p0 $0x108  }
0x21: {  	s3 =	sadd.s32 s3, s9;
	s6 =	sadd.s32 @!p0 $0x88, s6;
	s7 =	simm.s32 @p2 $0x1082  }
0x22: {  	[simem:s7], [sflag:s8] =	dma.local @!p0 [hbm:s6], $0xF7A  }
0x23: {  	s9 =	sor.u32 $0xD0000000, s2;
	s6 =	simm.s32 $0x108;
	_ =	swait.ge @!p0 [sflag:s8], $0x0  }
0x24: {  	s3 =	sadd.s32 $0x88, s3;
	s6 =	simm.s32 @!p1 $0x1082;
	[sflag:s4] =	ssyncset.s32 $0xFFFFF086  }
0x25: {  	[simem:s6], [sflag:s4] =	dma.local [hbm:s3], $0xF7A  }
0x26: {  	[smem:$0x3F73] =	sst s1;
	(tag) =	ssettag s2;
	_ =	strace s9  }
0x27: {  	s1 =	sld [smem:$0x3F83]  }
0x28: {  	s2 =	sld [smem:$0x3F84]  }
0x29: {  	s4 =	sld [smem:$0x3F86]  }
0x2a: {  	p0 =	seq.s32 s5, $0x0;
	s5 =	sld [smem:$0x3F87]  }
0x2b: {  	s6 =	sld [smem:$0x3F88]  }
0x2c: {  	s7 =	sld [smem:$0x3F89]  }
0x2d: {  	s3 =	simm.s32 $0x108;
	s8 =	sld [smem:$0x3F8A]  }
0x2e: {  	s3 =	simm.s32 @!p0 $0x1082;
	s9 =	sld [smem:$0x3F8B]  }
0x2f: {  	lr =	sadd.s32 s0, s3;
	s0 =	sld [smem:$0x3F82]  }
0x30: {  	s3 =	sld [smem:$0x3F85]  }
0x31: {  	[smem:$0x3F8E] =	sst s10  }
0x32: {  	s10 =	sld [smem:$0x3F8C];
	_ =	sdelay $0x3  }
0x33: {  	p0 =	seq.s32 s10, $0x1;
	s10 =	sld [smem:$0x3F8E];
	_ =	sdelay $0x3  }
0x34: {  	[smem:$0x3F8E] =	sst s10  }
0x35: {  	s10 =	sld [smem:$0x3F8D];
	_ =	sdelay $0x3  }
0x36: {  	p1 =	seq.s32 s10, $0x1;
	s10 =	sld [smem:$0x3F8E];
	_ =	sdelay $0x3  }
0x37: {  	[smem:$0x3F8E] =	sst s10  }
0x38: {  	s10 =	sld [smem:$0x3F8F]  }
0x39: {  	_ = 	snop;
	(pc) =	sbr.ind lr, $3  }
0x3a: {  	_ = 	snop  }
0x3b: {  	_ = 	snop  }
0x3c: {  	p2 =	seq.s32 s10, $0x1;
	s10 =	sld [smem:$0x3F8E]  }
0x3d: {  	_ =	shalt  }
0x3e: {  	_ =	shalt  }
0x3f: {  	_ =	shalt  }
0x40: {  	_ =	shalt  }
0x41: {  	_ =	shalt  }
0x42: {  	_ =	shalt  }
0x43: {  	_ =	shalt  }
0x44: {  	_ =	shalt  }
0x45: {  	_ =	shalt  }
0x46: {  	_ =	shalt  }
0x47: {  	_ =	shalt  }
0x48: {  	_ =	shalt  }
0x49: {  	_ =	shalt  }
0x4a: {  	_ =	shalt  }
0x4b: {  	_ =	shalt  }
0x4c: {  	_ =	shalt  }
0x4d: {  	_ =	shalt  }
0x4e: {  	_ =	shalt  }
0x4f: {  	_ =	shalt  }
0x50: {  	_ =	shalt  }
0x51: {  	_ =	shalt  }
0x52: {  	_ =	shalt  }
0x53: {  	_ =	shalt  }
0x54: {  	_ =	shalt  }
0x55: {  	_ =	shalt  }
0x56: {  	_ =	shalt  }
0x57: {  	_ =	shalt  }
0x58: {  	_ =	shalt  }
0x59: {  	_ =	shalt  }
0x5a: {  	_ =	shalt  }
0x5b: {  	_ =	shalt  }
0x5c: {  	_ =	shalt  }
0x5d: {  	_ =	shalt  }
0x5e: {  	_ =	shalt  }
0x5f: {  	_ =	shalt  }
0x60: {  	_ =	shalt  }
0x61: {  	_ =	shalt  }
0x62: {  	_ =	shalt  }
0x63: {  	_ =	shalt  }
0x64: {  	_ =	shalt  }
0x65: {  	_ =	shalt  }
0x66: {  	_ =	shalt  }
0x67: {  	_ =	shalt  }
0x68: {  	_ =	shalt  }
0x69: {  	_ =	shalt  }
0x6a: {  	_ =	shalt  }
0x6b: {  	_ =	shalt  }
0x6c: {  	_ =	shalt  }
0x6d: {  	_ =	shalt  }
0x6e: {  	_ =	shalt  }
0x6f: {  	_ =	shalt  }
0x70: {  	_ =	shalt  }
0x71: {  	_ =	shalt  }
0x72: {  	_ =	shalt  }
0x73: {  	_ =	shalt  }
0x74: {  	_ =	shalt  }
0x75: {  	_ =	shalt  }
0x76: {  	_ =	shalt  }
0x77: {  	_ =	shalt  }
0x78: {  	_ =	shalt  }
0x79: {  	_ =	shalt  }
0x7a: {  	_ =	shalt  }
0x7b: {  	_ =	shalt  }
0x7c: {  	_ =	shalt  }
0x7d: {  	_ =	shalt  }
0x7e: {  	_ =	shalt  }
0x7f: {  	_ =	shalt  }
0x80: {  	_ =	shalt  }
0x81: {  	_ =	shalt  }
0x82: {  	_ =	shalt  }
0x83: {  	_ =	shalt  }
0x84: {  	_ =	shalt  }
0x85: {  	_ =	shalt  }
0x86: {  	_ =	shalt  }
0x87: {  	_ =	shalt  }
.Lfunc_end0:
.L_simem_size_0:
called_computation.1_lowered:
.L_overlay_start_0:
0x88: {  	s2 =	sld [smem:$0x3FD9]  }
0x89: {  	s3 =	sld [smem:$0x3FFE];
	_ =	sdelay $0x1  }
0x8a: {  	s1 =	srdreg.scid  }
0x8b: {  	s0 =	sand.u32 $0x1, s1  }
0x8c: {  	s16 =	sshll.u32 s0, $0xA;
	s2 =	sadd.s32 s3, s2  }
0x8d: {  	s2 =	sadd.s32 s2, s16  }
0x8e: {  	[smem:$0x3F9A] =	sst s2  }
0x8f: {  	_ = 	snop  }
0x90: {  	(tm) =	ssettm $0x1  }
0x91: {  	s17 =	sld [smem:$0x3FFB];
	_ =	sdelay $0x3  }
0x92: {  	_ =	strace s17  }
0x93: {  	s2 =	sld [smem:$0x3FFC];
	_ =	sdelay $0x3  }
0x94: {  	_ =	strace s2  }
0x95: {  	s2 =	sld [smem:$0x3FFD];
	_ =	sdelay $0x3  }
0x96: {  	_ =	strace s2  }
0x97: {  	_ =	strace $0x8FFFFFFF  }
0x98: {  	s18 =	sld [smem:$0x3FDB];
	_ =	sdelay $0x1  }
0x99: {  	s19 =	simm.s32 $_scs_section_size  }
0x9a: {  	s4 =	simm.s32 $_size__tile_overlayer_lowered;
	s5 =	simm.s32 $_tile_overlayer_lowered  }
0x9b: {  	s22 =	simm.s32 $0x1BFF;
	s21 =	sshll.u32 s5, $0x1;
	s2 =	sadd.s32 s19, s18  }
0x9c: {  	s6 =	simm.s32 $0x0;
	s20 =	sshll.u32 s4, $0x1;
	s4 =	sadd.s32 s21, s2  }
0x9d: {  	[timem:s6], [sflag:s22] =	dma.local [hbm:s4], s20  }
0x9e: {  	_ =	swait.ge [sflag:s22], s20  }
0x9f: {  	s3 =	ssub.s32 $0x0, s20;
	[sflag:s22] =	ssyncset.done $0x0  }
0xa0: {  	[sflag:s22] =	ssyncadd.s32 s3;
	_ =	sdelay $0x1  }
0xa1: {  	s23 =	simm.s32 $0x1B8B  }
0xa2: {  	_ =	swait.ge [sflag:s23], $0x1  }
0xa3: {  	[sflag:s23] =	ssyncset.done $0x0  }
0xa4: {  	s25 =	simm.s32 $0x1B8E;
	s24 =	sld [smem:$0x3FFE];
	[sflag:s23] =	ssyncadd.s32 $0xFFFFFFFF  }
0xa5: {  	s26 =	simm.s32 $execute0_lowered;
	[smem:$0x3FD2] =	sst s25  }
0xa6: {  	s4 =	sshll.u32 s26, $0x1;
	_ =	strace $0x80000049;
	[dreg:$0x1] =	wrdreg $0xFFFFFFFF  }
0xa7: {  	s28 =	simm.s32 $_size_execute0_lowered;
	s2 =	sadd.s32 s2, s4;
	[dreg:$0x0] =	wrdreg $0x0  }
0xa8: {  	s4 =	sshll.u32 s28, $0x1;
	[dreg:$0x2] =	wrdreg s2  }
0xa9: {  	[dreg:$0x3] =	wrdreg s4  }
0xaa: {  	[dreg:$0x4] =	wrdreg $0xC0  }
0xab: {  	_ =	task [dreg:s6], $0x5FFFF  }
0xac: {  	[dreg:$0x1] =	wrdreg $0xFFFFFFFF  }
0xad: {  	[dreg:$0x0] =	wrdreg $0x60  }
0xae: {  	[dreg:$0x2] =	wrdreg s24  }
0xaf: {  	[dreg:$0x3] =	wrdreg $0x154000  }
0xb0: {  	[dreg:$0x4] =	wrdreg $0x9  }
0xb1: {  	_ =	task.clear_ibuf [dreg:s6], $0x5FFFF;
	_ =	strace $0x90000049  }
0xb2: {  	s29 =	simm.s32 $0x9;
	_ =	strace $0x8000004B  }
0xb3: {  	_ =	swait.ge [sflag:s29], $0x1  }
0xb4: {  	[sflag:s29] =	ssyncadd.s32 $0xFFFFFFFF  }
0xb5: {  	_ =	strace $0x9000004B  }
0xb6: {  	_ =	sfence  }
0xb7: {  	s30 =	sld [smem:$0x0];
	_ =	sdelay $0x2  }
0xb8: {  	s31 =	sshll.u32 s1, $0xD;
	s1 =	sshrl.u32 s1, $0x2  }
0xb9: {  	s3 =	sand.u32 $0x4000, s31;
	s1 =	sadd.s32 s1, s30  }
0xba: {  	s0 =	sor.u32 s3, s0;
	s1 =	sshll.u32 s1, $0x11  }
0xbb: {  	s0 =	sor.u32 s1, s0  }
0xbc: {  	s0 =	sadd.s32 $0x8F2B, s0  }
0xbd: {  	[sflag:s0] =	ssyncadd.remote.s32 $0x1  }
0xbe: {  	_ =	sfence.sel $0xFFFF  }
0xbf: {  	[dreg:$0x0] =	wrdreg $0xFFFFFFFF;
	(pc) =	sbr.abs _section_cstart, $3  }
0xc0: {  	[dreg:$0x1] =	wrdreg $0xFFFFFFFF  }
0xc1: {  	_ =	task.clear_ibuf [dreg:s6], $0x2FFFF;
	_ =	strace $0x9FFFFFFF  }
0xc2: {  	(tm) =	ssettm $0x7FFFFFFF  }
0xc3: {  	_ =	shalt  }
tec
execute0_lowered:
.L_overlay_start_1:
0x0: {  	(tag) =	ssettag $0x1  }
0x1: {  	s1 =	srdreg.scid;
	s6 =	rddreg [dreg:$0x0]  }
0x2: {  	s0 =	stileid.u32;
	s2 =	rddreg [dreg:$0x1]  }
0x3: {  	s3 =	simm.s32 $0x0;
	s14 =	simm.s32 $0x0;
	s8 =	smul.u32 $0x500, s0  }
0x4: {  	s5 =	sand.u32 $0x1, s1;
	s29 =	sshll.u32 s0, $0x1;
	s30 =	smul.u32 $0xA000, s0  }
0x5: {  	[smem:$0x7FF] =	sst s3;
	s1 =	sor.u32 s5, s29;
	s9 =	smul.u32 $0x5000, s5  }
0x6: {  	s11 =	sshll.u32 s0, $0x6;
	s5 =	ssub.s32 $0x2, s5;
	s4 =	smul.u32 $0x2800, s1  }
0x7: {  	s7 =	smul.u32 $0x280, s1;
	s1 =	rddreg [dreg:$0x2];
	_ =	strace $0x8000004A  }
0x8: {  	s31 =	sshrl.u32 s5, $0x1;
	s8 =	sadd.s32 s8, s9;
	s9 =	sshrl.u32 s30, $0x2  }
0x9: {  	s12 =	ssub.s32 s5, s31;
	s5 =	sor.u32 $0x1C02, s11;
	s11 =	simm.s32 $0x2  }
0xa: {  	s10 =	sadd.s32 s4, s6;
	s7 =	sadd.s32 s7, s6;
	s4 =	sadd.s32 $0x2F800, s6  }
0xb: {  	s8 =	sadd.s32 s8, s6;
	s13 =	sadd.s32 s9, s2;
	s9 =	smax.u32 s12, $0x1  }
0xc: {  	s12 =	simm.s32 $0x80;
	s6 =	sadd.s32 $0x89800, s7;
	s7 =	sadd.s32 $0x39800, s10  }
0xd: {  	s8 =	sadd.s32 $0x8E800, s8;
	s10 =	sshrl.u32 s13, $0x3;
	s13 =	simm.s32 $0x1  }
.LBB2_1:
0xe: {  	[spmem:s10], [sflag:s5] =	dma.local [hbm:s4], $0x500  }
0xf: {  	_ =	swait.ge [sflag:s11], $0x500  }
0x10: {  	[sflag:s11] =	ssyncset.done $0x0  }
0x11: {  	[sflag:s11] =	ssyncadd.s32 $0xFFFFFB00  }
0x12: {  	[tilespmem:s3], [sflag:$0x2] =	stream.linear.gather [hbm4b:s6+s3], $0x1400, $0x38;
	[tilespmem:$0x17C00] =	vst v63  }
0x13: {  	_ =	swait.ge [sflag:s11], $0x1400  }
0x14: {  	[sflag:s11] =	ssyncset.done $0x0  }
0x15: {  	s15 =	simm.s32 $0x1400;
	[sflag:s11] =	ssyncadd.s32 $0xFFFFEC00  }
0x16: {  	[tilespmem:s15], [sflag:$0x2] =	stream.linear.gather [hbm4b:s7+s3], $0x14000, $0x38;
	[tilespmem:$0x17C00] =	vst v63  }
0x17: {  	_ =	swait.ge [sflag:s11], $0x14000  }
0x18: {  	[sflag:s11] =	ssyncset.done $0x0  }
0x19: {  	s16 =	simm.s32 $0x200;
	[sflag:s11] =	ssyncadd.s32 $0xFFFEC000  }
0x1a: {  	s18 =	simm.s32 $0x0;
	s17 =	simm.s32 $0x1C00;
	[bflag:$0x0] =	sbarrier.arrive $0xFFFF  }
.LBB2_2:
0x1b: {  	[spmem:s2] =	stream.indirect.scatter.add.f32 [tilespmem:s15], [sflag:$0x1], $0x10, s18, s12, $0xb8;
	[tilespmem:$0x17C00] =	vst v63  }
0x1c: {  	s18 =	smov.u32 s16;
	s15 =	smov.u32 s17;
	p0 =	sne.s32 s16, $0x4E00  }
.Ltmp0:
0x1d: {  	s16 =	sadd.s32 $0x200, s16;
	(pc) =	sbr.rel @p0 .LBB2_2-.Ltmp0, $2  }
0x1e: {  	_ =	sdelay $0x2  }
0x1f: {  	s17 =	sadd.s32 $0x800, s17;
	s18 =	sshra.s32 s18, $0x2  }
0x20: {  	[spmem:s2] =	stream.indirect.scatter.add.f32 [tilespmem:s15], [sflag:$0x1], $0x10, s18, s12, $0xb8;
	[tilespmem:$0x17C00] =	vst v63  }
0x21: {  	_ =	swait.ge [sflag:s13], $0x14000  }
0x22: {  	s14 =	sadd.s32 $0x1, s14;
	[sflag:s13] =	ssyncset.done $0x0  }
0x23: {  	p0 =	sne.s32 s14, s9;
	[sflag:s13] =	ssyncadd.s32 $0xFFFEC000  }
.Ltmp1:
0x24: {  	[bflag:$0x0] =	sbarrier.arrive $0xFFFF;
	(pc) =	sbr.rel @p0 .LBB2_1-.Ltmp1, $4  }
0x25: {  	[hbm:s8], [sflag:s5] =	dma.local [spmem:s10], $0x500  }
0x26: {  	_ =	swait.ge [sflag:s11], $0x500  }
0x27: {  	[sflag:s11] =	ssyncset.done $0x0  }
0x28: {  	[sflag:s11] =	ssyncadd.s32 $0xFFFFFB00  }
0x29: {  	_ =	sfence.sel $0x180000  }
0x2a: {  	[bflag:$0x0] =	sbarrier.arrive $0xFFFF  }
0x2b: {  	p0 =	sne.s32 s0, $0x0;
	_ =	strace $0x9000004A  }
0x2c: {  	s0 =	sadd.s32 @!p0 $0x100000, s1;
	[bflag:$0x2] =	sbarrier.arrive $0xFFFF  }
0x2d: {  	[sflag:s0] =	ssyncadd.tile.s32 @!p0 $0x1;
	_ =	shalt  }
.Lfunc_end2:
_tile_overlayer_lowered:
.L_overlay_start_2:
0x2e: {  	(tag) =	ssettag $0x2  }
0x2f: {  	s0 =	rddreg [dreg:$0x0];
	s2 =	stileid.u32  }
0x30: {  	s1 =	rddreg [dreg:$0x1];
	p0 =	sne.s32 s2, $0x0  }
0x31: {  	s3 =	rddreg [dreg:$0x2];
	[bflag:$0x3] =	sbarrier.arrive $0xFFFF;
	s2 =	simm.s32 @!p0 $0x1C02  }
0x32: {  	[timem:s3], [sflag:s2] =	dma.local @!p0 [hbm:s0], s1  }
0x33: {  	s0 =	simm.s32 @!p0 $0x2  }
0x34: {  	_ =	swait.ge @!p0 [sflag:s0], s1  }
0x35: {  	s1 =	ssub.s32 @!p0 $0x0, s1;
	[sflag:s0] =	ssyncset.done @!p0 $0x0  }
0x36: {  	[sflag:s0] =	ssyncadd.s32 @!p0 s1  }
0x37: {  	[bflag:$0x3] =	sbarrier.arrive $0xFFFF  }
0x38: {  	_ =	shalt  }

// kernel: kernel.17.cloned.1.call-start
scs
__scs_entry_jumppad:
0x0: {  	(pc) =	sbr.rel $0x88, $3  }
0x1: {  	(tag) =	ssettag $0x0;
	lr =	simm.s32 $0x1  }
0x2: {  	[smem:$0x3F73] =	sst lr;
	_ =	strace $0xD0000000  }
0x3: {  	_ = 	snop  }
0x4: {  	_ = 	snop  }
0x5: {  	_ = 	snop  }
0x6: {  	_ = 	snop  }
0x7: {  	_ = 	snop  }
__scs_overlays_trampoline_lowered:
0x8: {  	[smem:$0x3F82] =	sst s0  }
0x9: {  	[smem:$0x3F83] =	sst s1  }
0xa: {  	[smem:$0x3F84] =	sst s2  }
0xb: {  	[smem:$0x3F85] =	sst s3  }
0xc: {  	[smem:$0x3F86] =	sst s4  }
0xd: {  	[smem:$0x3F87] =	sst s5  }
0xe: {  	[smem:$0x3F88] =	sst s6  }
0xf: {  	[smem:$0x3F89] =	sst s7  }
0x10: {  	[smem:$0x3F8A] =	sst s8  }
0x11: {  	[smem:$0x3F8B] =	sst s9;
	s0 =	simm.s32 @!p0 $0x0  }
0x12: {  	s1 =	sld [smem:$0x3F71];
	s0 =	simm.s32 @p0 $0x1  }
0x13: {  	[smem:$0x3F8C] =	sst s0;
	s0 =	simm.s32 @!p1 $0x0  }
0x14: {  	s2 =	sld [smem:$0x3F70];
	s0 =	simm.s32 @p1 $0x1  }
0x15: {  	[smem:$0x3F8D] =	sst s0;
	s0 =	simm.s32 @!p2 $0x0  }
0x16: {  	s3 =	sld [smem:$0x3FDB];
	s0 =	simm.s32 @p2 $0x1  }
0x17: {  	s4 =	simm.s32 $0x1BF5;
	[smem:$0x3F8F] =	sst s0  }
0x18: {  	s0 =	sld [smem:$0x3F72];
	_ =	swait.ge [sflag:s4], $0x0  }
0x19: {  	s7 =	sld [smem:$0x3F73]  }
0x1a: {  	s8 =	sadd.s32 $0xFFFFE003, lr  }
0x1b: {  	s9 =	sadd.s32 $0xFFFFFEF7, lr;
	s5 =	simm.s32 $0xFFFFFFFF;
	p2 =	slt.u32 s8, $0xFFFFF086  }
0x1c: {  	p1 =	slt.u32 s9, $0xF7A;
	s5 =	simm.s32 @!p2 $0x0  }
0x1d: {  	s5 =	simm.s32 @p1 $0x1;
	p0 =	seq.s32 s7, s2  }
0x1e: {  	s7 =	smul.u32 @!p0 $0xF7A, s2;
	p2 =	seq.s32 @!p0 s5, $0x0  }
0x1f: {  	s9 =	smul.u32 $0xF7A, s1;
	s8 =	simm.s32 @!p0 $0x1BF5;
	p2 =	por !p2, p0  }
0x20: {  	[sflag:s8] =	ssyncset.s32 @!p0 $0xFFFFF086;
	s6 =	sadd.s32 @!p0 s3, s7;
	s7 =	simm.s32 @!p0 $0x108  }
0x21: {  	s3 =	sadd.s32 s3, s9;
	s6 =	sadd.s32 @!p0 $0x88, s6;
	s7 =	simm.s32 @p2 $0x1082  }
0x22: {  	[simem:s7], [sflag:s8] =	dma.local @!p0 [hbm:s6], $0xF7A  }
0x23: {  	s9 =	sor.u32 $0xD0000000, s2;
	s6 =	simm.s32 $0x108;
	_ =	swait.ge @!p0 [sflag:s8], $0x0  }
0x24: {  	s3 =	sadd.s32 $0x88, s3;
	s6 =	simm.s32 @!p1 $0x1082;
	[sflag:s4] =	ssyncset.s32 $0xFFFFF086  }
0x25: {  	[simem:s6], [sflag:s4] =	dma.local [hbm:s3], $0xF7A  }
0x26: {  	[smem:$0x3F73] =	sst s1;
	(tag) =	ssettag s2;
	_ =	strace s9  }
0x27: {  	s1 =	sld [smem:$0x3F83]  }
0x28: {  	s2 =	sld [smem:$0x3F84]  }
0x29: {  	s4 =	sld [smem:$0x3F86]  }
0x2a: {  	p0 =	seq.s32 s5, $0x0;
	s5 =	sld [smem:$0x3F87]  }
0x2b: {  	s6 =	sld [smem:$0x3F88]  }
0x2c: {  	s7 =	sld [smem:$0x3F89]  }
0x2d: {  	s3 =	simm.s32 $0x108;
	s8 =	sld [smem:$0x3F8A]  }
0x2e: {  	s3 =	simm.s32 @!p0 $0x1082;
	s9 =	sld [smem:$0x3F8B]  }
0x2f: {  	lr =	sadd.s32 s0, s3;
	s0 =	sld [smem:$0x3F82]  }
0x30: {  	s3 =	sld [smem:$0x3F85]  }
0x31: {  	[smem:$0x3F8E] =	sst s10  }
0x32: {  	s10 =	sld [smem:$0x3F8C];
	_ =	sdelay $0x3  }
0x33: {  	p0 =	seq.s32 s10, $0x1;
	s10 =	sld [smem:$0x3F8E];
	_ =	sdelay $0x3  }
0x34: {  	[smem:$0x3F8E] =	sst s10  }
0x35: {  	s10 =	sld [smem:$0x3F8D];
	_ =	sdelay $0x3  }
0x36: {  	p1 =	seq.s32 s10, $0x1;
	s10 =	sld [smem:$0x3F8E];
	_ =	sdelay $0x3  }
0x37: {  	[smem:$0x3F8E] =	sst s10  }
0x38: {  	s10 =	sld [smem:$0x3F8F]  }
0x39: {  	_ = 	snop;
	(pc) =	sbr.ind lr, $3  }
0x3a: {  	_ = 	snop  }
0x3b: {  	_ = 	snop  }
0x3c: {  	p2 =	seq.s32 s10, $0x1;
	s10 =	sld [smem:$0x3F8E]  }
0x3d: {  	_ =	shalt  }
0x3e: {  	_ =	shalt  }
0x3f: {  	_ =	shalt  }
0x40: {  	_ =	shalt  }
0x41: {  	_ =	shalt  }
0x42: {  	_ =	shalt  }
0x43: {  	_ =	shalt  }
0x44: {  	_ =	shalt  }
0x45: {  	_ =	shalt  }
0x46: {  	_ =	shalt  }
0x47: {  	_ =	shalt  }
0x48: {  	_ =	shalt  }
0x49: {  	_ =	shalt  }
0x4a: {  	_ =	shalt  }
0x4b: {  	_ =	shalt  }
0x4c: {  	_ =	shalt  }
0x4d: {  	_ =	shalt  }
0x4e: {  	_ =	shalt  }
0x4f: {  	_ =	shalt  }
0x50: {  	_ =	shalt  }
0x51: {  	_ =	shalt  }
0x52: {  	_ =	shalt  }
0x53: {  	_ =	shalt  }
0x54: {  	_ =	shalt  }
0x55: {  	_ =	shalt  }
0x56: {  	_ =	shalt  }
0x57: {  	_ =	shalt  }
0x58: {  	_ =	shalt  }
0x59: {  	_ =	shalt  }
0x5a: {  	_ =	shalt  }
0x5b: {  	_ =	shalt  }
0x5c: {  	_ =	shalt  }
0x5d: {  	_ =	shalt  }
0x5e: {  	_ =	shalt  }
0x5f: {  	_ =	shalt  }
0x60: {  	_ =	shalt  }
0x61: {  	_ =	shalt  }
0x62: {  	_ =	shalt  }
0x63: {  	_ =	shalt  }
0x64: {  	_ =	shalt  }
0x65: {  	_ =	shalt  }
0x66: {  	_ =	shalt  }
0x67: {  	_ =	shalt  }
0x68: {  	_ =	shalt  }
0x69: {  	_ =	shalt  }
0x6a: {  	_ =	shalt  }
0x6b: {  	_ =	shalt  }
0x6c: {  	_ =	shalt  }
0x6d: {  	_ =	shalt  }
0x6e: {  	_ =	shalt  }
0x6f: {  	_ =	shalt  }
0x70: {  	_ =	shalt  }
0x71: {  	_ =	shalt  }
0x72: {  	_ =	shalt  }
0x73: {  	_ =	shalt  }
0x74: {  	_ =	shalt  }
0x75: {  	_ =	shalt  }
0x76: {  	_ =	shalt  }
0x77: {  	_ =	shalt  }
0x78: {  	_ =	shalt  }
0x79: {  	_ =	shalt  }
0x7a: {  	_ =	shalt  }
0x7b: {  	_ =	shalt  }
0x7c: {  	_ =	shalt  }
0x7d: {  	_ =	shalt  }
0x7e: {  	_ =	shalt  }
0x7f: {  	_ =	shalt  }
0x80: {  	_ =	shalt  }
0x81: {  	_ =	shalt  }
0x82: {  	_ =	shalt  }
0x83: {  	_ =	shalt  }
0x84: {  	_ =	shalt  }
0x85: {  	_ =	shalt  }
0x86: {  	_ =	shalt  }
0x87: {  	_ =	shalt  }
.Lfunc_end0:
.L_simem_size_0:
called_computation.2_lowered:
.L_overlay_start_0:
0x88: {  	s2 =	sld [smem:$0x3FD9]  }
0x89: {  	s3 =	sld [smem:$0x3FFE];
	_ =	sdelay $0x1  }
0x8a: {  	s1 =	srdreg.scid  }
0x8b: {  	s0 =	sand.u32 $0x1, s1  }
0x8c: {  	s16 =	sshll.u32 s0, $0xA;
	s2 =	sadd.s32 s3, s2  }
0x8d: {  	s2 =	sadd.s32 s2, s16  }
0x8e: {  	[smem:$0x3F9A] =	sst s2  }
0x8f: {  	_ = 	snop  }
0x90: {  	(tm) =	ssettm $0x1  }
0x91: {  	s17 =	sld [smem:$0x3FFB];
	_ =	sdelay $0x3  }
0x92: {  	_ =	strace s17  }
0x93: {  	s2 =	sld [smem:$0x3FFC];
	_ =	sdelay $0x3  }
0x94: {  	_ =	strace s2  }
0x95: {  	s2 =	sld [smem:$0x3FFD];
	_ =	sdelay $0x3  }
0x96: {  	_ =	strace s2  }
0x97: {  	_ =	strace $0x8FFFFFFF  }
0x98: {  	s18 =	sld [smem:$0x3FDB];
	_ =	sdelay $0x1  }
0x99: {  	s19 =	simm.s32 $_scs_section_size  }
0x9a: {  	s4 =	simm.s32 $_size__tile_overlayer_lowered;
	s5 =	simm.s32 $_tile_overlayer_lowered  }
0x9b: {  	s22 =	simm.s32 $0x1BFF;
	s21 =	sshll.u32 s5, $0x1;
	s2 =	sadd.s32 s19, s18  }
0x9c: {  	s6 =	simm.s32 $0x0;
	s20 =	sshll.u32 s4, $0x1;
	s4 =	sadd.s32 s21, s2  }
0x9d: {  	[timem:s6], [sflag:s22] =	dma.local [hbm:s4], s20  }
0x9e: {  	_ =	swait.ge [sflag:s22], s20  }
0x9f: {  	s3 =	ssub.s32 $0x0, s20;
	[sflag:s22] =	ssyncset.done $0x0  }
0xa0: {  	[sflag:s22] =	ssyncadd.s32 s3;
	_ =	sdelay $0x1  }
0xa1: {  	s23 =	simm.s32 $0x1B8B  }
0xa2: {  	_ =	swait.ge [sflag:s23], $0x1  }
0xa3: {  	[sflag:s23] =	ssyncset.done $0x0  }
0xa4: {  	s25 =	simm.s32 $0x1B8E;
	s24 =	sld [smem:$0x3FFE];
	[sflag:s23] =	ssyncadd.s32 $0xFFFFFFFF  }
0xa5: {  	s26 =	simm.s32 $execute0_lowered;
	[smem:$0x3FD2] =	sst s25  }
0xa6: {  	s4 =	sshll.u32 s26, $0x1;
	_ =	strace $0x8000004C;
	[dreg:$0x1] =	wrdreg $0xFFFFFFFF  }
0xa7: {  	s28 =	simm.s32 $_size_execute0_lowered;
	s2 =	sadd.s32 s2, s4;
	[dreg:$0x0] =	wrdreg $0x0  }
0xa8: {  	s4 =	sshll.u32 s28, $0x1;
	[dreg:$0x2] =	wrdreg s2  }
0xa9: {  	[dreg:$0x3] =	wrdreg s4  }
0xaa: {  	[dreg:$0x4] =	wrdreg $0xC0  }
0xab: {  	_ =	task [dreg:s6], $0x5FFFF  }
0xac: {  	[dreg:$0x1] =	wrdreg $0xFFFFFFFF  }
0xad: {  	[dreg:$0x0] =	wrdreg $0x60  }
0xae: {  	[dreg:$0x2] =	wrdreg s24  }
0xaf: {  	[dreg:$0x3] =	wrdreg $0x9  }
0xb0: {  	_ =	task.clear_ibuf [dreg:s6], $0x4FFFF;
	_ =	strace $0x9000004C  }
0xb1: {  	s29 =	simm.s32 $0x9;
	_ =	strace $0x8000004E  }
0xb2: {  	_ =	swait.ge [sflag:s29], $0x1  }
0xb3: {  	[sflag:s29] =	ssyncadd.s32 $0xFFFFFFFF  }
0xb4: {  	_ =	strace $0x9000004E  }
0xb5: {  	_ =	sfence  }
0xb6: {  	s30 =	sld [smem:$0x0];
	_ =	sdelay $0x2  }
0xb7: {  	s31 =	sshll.u32 s1, $0xD;
	s1 =	sshrl.u32 s1, $0x2  }
0xb8: {  	s3 =	sand.u32 $0x4000, s31;
	s1 =	sadd.s32 s1, s30  }
0xb9: {  	s0 =	sor.u32 s3, s0;
	s1 =	sshll.u32 s1, $0x11  }
0xba: {  	s0 =	sor.u32 s1, s0  }
0xbb: {  	s0 =	sadd.s32 $0x8F2B, s0  }
0xbc: {  	[sflag:s0] =	ssyncadd.remote.s32 $0x1  }
0xbd: {  	_ =	sfence.sel $0xFFFF  }
0xbe: {  	[dreg:$0x0] =	wrdreg $0xFFFFFFFF;
	(pc) =	sbr.abs _section_cstart, $3  }
0xbf: {  	[dreg:$0x1] =	wrdreg $0xFFFFFFFF  }
0xc0: {  	_ =	task.clear_ibuf [dreg:s6], $0x2FFFF;
	_ =	strace $0x9FFFFFFF  }
0xc1: {  	(tm) =	ssettm $0x7FFFFFFF  }
tec
execute0_lowered:
.L_overlay_start_1:
0x0: {  	(tag) =	ssettag $0x1  }
0x1: {  	s1 =	srdreg.scid;
	s0 =	stileid.u32  }
0x2: {  	s5 =	rddreg [dreg:$0x0];
	s2 =	simm.s32 $0x0;
	s8 =	simm.s32 $0x80  }
0x3: {  	s9 =	simm.s32 $0x1;
	s4 =	sand.u32 $0x1, s1;
	s30 =	sshll.u32 s0, $0x1  }
0x4: {  	s10 =	simm.s32 $0x1400;
	s1 =	rddreg [dreg:$0x1];
	s3 =	sor.u32 s4, s30  }
0x5: {  	s11 =	simm.s32 $0x0;
	[smem:$0x7FF] =	sst s2;
	s6 =	smul.u32 $0x280, s3  }
0x6: {  	_ =	strace $0x8000004D;
	s4 =	ssub.s32 $0x2, s4;
	s7 =	smul.u32 $0x2800, s3  }
0x7: {  	s3 =	sadd.s32 $0x39800, s5;
	s31 =	sshrl.u32 s4, $0x1;
	s6 =	sadd.s32 s6, s5  }
0x8: {  	s5 =	sadd.s32 s7, s5;
	s7 =	ssub.s32 s4, s31;
	s4 =	sadd.s32 $0x34800, s6  }
0x9: {  	s5 =	sadd.s32 $0x8E800, s5;
	s6 =	smax.u32 s7, $0x1;
	s7 =	simm.s32 $0x2  }
.LBB2_1:
0xa: {  	[tilespmem:s2], [sflag:$0x2] =	stream.linear.gather [hbm4b:s4+s2], $0x1400, $0x38;
	[tilespmem:$0x15400] =	vst v63  }
0xb: {  	_ =	swait.ge [sflag:s7], $0x1400  }
0xc: {  	s12 =	simm.s32 $0x200;
	s15 =	simm.s32 $0x0;
	[sflag:s7] =	ssyncset.done $0x0  }
0xd: {  	s13 =	simm.s32 $0x1C00;
	s14 =	simm.s32 $0x1400;
	[sflag:s7] =	ssyncadd.s32 $0xFFFFEC00  }
.LBB2_2:
0xe: {  	[tilespmem:s14], [sflag:$0x1] =	stream.indirect.gather [hbm4b:s3+s8], $0x10, s15, s8, $0xb8;
	[tilespmem:$0x15400] =	vst v63  }
0xf: {  	s15 =	smov.u32 s12;
	s14 =	smov.u32 s13;
	p0 =	sne.s32 s12, $0x4E00  }
.Ltmp0:
0x10: {  	s12 =	sadd.s32 $0x200, s12;
	(pc) =	sbr.rel @p0 .LBB2_2-.Ltmp0, $2  }
0x11: {  	_ =	sdelay $0x2  }
0x12: {  	s13 =	sadd.s32 $0x800, s13;
	s15 =	sshra.s32 s15, $0x2  }
0x13: {  	[tilespmem:s14], [sflag:$0x1] =	stream.indirect.gather [hbm4b:s3+s8], $0x10, s15, s8, $0xb8;
	[tilespmem:$0x15400] =	vst v63  }
0x14: {  	s11 =	sadd.s32 $0x1, s11;
	_ =	swait.ge [sflag:s9], $0x14000  }
0x15: {  	p0 =	sne.s32 s11, s6;
	[sflag:s9] =	ssyncset.done $0x0  }
.Ltmp1:
0x16: {  	[sflag:s9] =	ssyncadd.s32 $0xFFFEC000;
	(pc) =	sbr.rel @p0 .LBB2_1-.Ltmp1, $4  }
0x17: {  	[hbm4b:s5+s2] =	stream.linear.scatter [tilespmem:s10], [sflag:$0x2], $0x14000, $0x38;
	[tilespmem:$0x15400] =	vst v63  }
0x18: {  	_ =	swait.ge [sflag:s7], $0x14000  }
0x19: {  	[sflag:s7] =	ssyncset.done $0x0  }
0x1a: {  	[sflag:s7] =	ssyncadd.s32 $0xFFFEC000  }
0x1b: {  	_ =	sfence.sel $0x180000  }
0x1c: {  	[bflag:$0x0] =	sbarrier.arrive $0xFFFF  }
0x1d: {  	p0 =	sne.s32 s0, $0x0;
	_ =	strace $0x9000004D  }
0x1e: {  	s0 =	sadd.s32 @!p0 $0x100000, s1;
	[bflag:$0x2] =	sbarrier.arrive $0xFFFF  }
0x1f: {  	[sflag:s0] =	ssyncadd.tile.s32 @!p0 $0x1;
	_ =	shalt  }
.Lfunc_end2:
_tile_overlayer_lowered:
.L_overlay_start_2:
0x20: {  	(tag) =	ssettag $0x2  }
0x21: {  	s0 =	rddreg [dreg:$0x0];
	s2 =	stileid.u32  }
0x22: {  	s1 =	rddreg [dreg:$0x1];
	p0 =	sne.s32 s2, $0x0  }
0x23: {  	s3 =	rddreg [dreg:$0x2];
	[bflag:$0x3] =	sbarrier.arrive $0xFFFF;
	s2 =	simm.s32 @!p0 $0x1C02  }
0x24: {  	[timem:s3], [sflag:s2] =	dma.local @!p0 [hbm:s0], s1  }
0x25: {  	s0 =	simm.s32 @!p0 $0x2  }
0x26: {  	_ =	swait.ge @!p0 [sflag:s0], s1  }
0x27: {  	s1 =	ssub.s32 @!p0 $0x0, s1;
	[sflag:s0] =	ssyncset.done @!p0 $0x0  }
0x28: {  	[sflag:s0] =	ssyncadd.s32 @!p0 s1  }
0x29: {  	[bflag:$0x3] =	sbarrier.arrive $0xFFFF  }
0x2a: {  	_ =	shalt  }

// kernel: kernel.20.cloned.1.call-start
scs
__scs_entry_jumppad:
0x0: {  	(pc) =	sbr.rel $0x88, $3  }
0x1: {  	(tag) =	ssettag $0x0;
	lr =	simm.s32 $0x1  }
0x2: {  	[smem:$0x3F73] =	sst lr;
	_ =	strace $0xD0000000  }
0x3: {  	_ = 	snop  }
0x4: {  	_ = 	snop  }
0x5: {  	_ = 	snop  }
0x6: {  	_ = 	snop  }
0x7: {  	_ = 	snop  }
__scs_overlays_trampoline_lowered:
0x8: {  	[smem:$0x3F82] =	sst s0  }
0x9: {  	[smem:$0x3F83] =	sst s1  }
0xa: {  	[smem:$0x3F84] =	sst s2  }
0xb: {  	[smem:$0x3F85] =	sst s3  }
0xc: {  	[smem:$0x3F86] =	sst s4  }
0xd: {  	[smem:$0x3F87] =	sst s5  }
0xe: {  	[smem:$0x3F88] =	sst s6  }
0xf: {  	[smem:$0x3F89] =	sst s7  }
0x10: {  	[smem:$0x3F8A] =	sst s8  }
0x11: {  	[smem:$0x3F8B] =	sst s9;
	s0 =	simm.s32 @!p0 $0x0  }
0x12: {  	s1 =	sld [smem:$0x3F71];
	s0 =	simm.s32 @p0 $0x1  }
0x13: {  	[smem:$0x3F8C] =	sst s0;
	s0 =	simm.s32 @!p1 $0x0  }
0x14: {  	s2 =	sld [smem:$0x3F70];
	s0 =	simm.s32 @p1 $0x1  }
0x15: {  	[smem:$0x3F8D] =	sst s0;
	s0 =	simm.s32 @!p2 $0x0  }
0x16: {  	s3 =	sld [smem:$0x3FDB];
	s0 =	simm.s32 @p2 $0x1  }
0x17: {  	s4 =	simm.s32 $0x1BF5;
	[smem:$0x3F8F] =	sst s0  }
0x18: {  	s0 =	sld [smem:$0x3F72];
	_ =	swait.ge [sflag:s4], $0x0  }
0x19: {  	s7 =	sld [smem:$0x3F73]  }
0x1a: {  	s8 =	sadd.s32 $0xFFFFE003, lr  }
0x1b: {  	s9 =	sadd.s32 $0xFFFFFEF7, lr;
	s5 =	simm.s32 $0xFFFFFFFF;
	p2 =	slt.u32 s8, $0xFFFFF086  }
0x1c: {  	p1 =	slt.u32 s9, $0xF7A;
	s5 =	simm.s32 @!p2 $0x0  }
0x1d: {  	s5 =	simm.s32 @p1 $0x1;
	p0 =	seq.s32 s7, s2  }
0x1e: {  	s7 =	smul.u32 @!p0 $0xF7A, s2;
	p2 =	seq.s32 @!p0 s5, $0x0  }
0x1f: {  	s9 =	smul.u32 $0xF7A, s1;
	s8 =	simm.s32 @!p0 $0x1BF5;
	p2 =	por !p2, p0  }
0x20: {  	[sflag:s8] =	ssyncset.s32 @!p0 $0xFFFFF086;
	s6 =	sadd.s32 @!p0 s3, s7;
	s7 =	simm.s32 @!p0 $0x108  }
0x21: {  	s3 =	sadd.s32 s3, s9;
	s6 =	sadd.s32 @!p0 $0x88, s6;
	s7 =	simm.s32 @p2 $0x1082  }
0x22: {  	[simem:s7], [sflag:s8] =	dma.local @!p0 [hbm:s6], $0xF7A  }
0x23: {  	s9 =	sor.u32 $0xD0000000, s2;
	s6 =	simm.s32 $0x108;
	_ =	swait.ge @!p0 [sflag:s8], $0x0  }
0x24: {  	s3 =	sadd.s32 $0x88, s3;
	s6 =	simm.s32 @!p1 $0x1082;
	[sflag:s4] =	ssyncset.s32 $0xFFFFF086  }
0x25: {  	[simem:s6], [sflag:s4] =	dma.local [hbm:s3], $0xF7A  }
0x26: {  	[smem:$0x3F73] =	sst s1;
	(tag) =	ssettag s2;
	_ =	strace s9  }
0x27: {  	s1 =	sld [smem:$0x3F83]  }
0x28: {  	s2 =	sld [smem:$0x3F84]  }
0x29: {  	s4 =	sld [smem:$0x3F86]  }
0x2a: {  	p0 =	seq.s32 s5, $0x0;
	s5 =	sld [smem:$0x3F87]  }
0x2b: {  	s6 =	sld [smem:$0x3F88]  }
0x2c: {  	s7 =	sld [smem:$0x3F89]  }
0x2d: {  	s3 =	simm.s32 $0x108;
	s8 =	sld [smem:$0x3F8A]  }
0x2e: {  	s3 =	simm.s32 @!p0 $0x1082;
	s9 =	sld [smem:$0x3F8B]  }
0x2f: {  	lr =	sadd.s32 s0, s3;
	s0 =	sld [smem:$0x3F82]  }
0x30: {  	s3 =	sld [smem:$0x3F85]  }
0x31: {  	[smem:$0x3F8E] =	sst s10  }
0x32: {  	s10 =	sld [smem:$0x3F8C];
	_ =	sdelay $0x3  }
0x33: {  	p0 =	seq.s32 s10, $0x1;
	s10 =	sld [smem:$0x3F8E];
	_ =	sdelay $0x3  }
0x34: {  	[smem:$0x3F8E] =	sst s10  }
0x35: {  	s10 =	sld [smem:$0x3F8D];
	_ =	sdelay $0x3  }
0x36: {  	p1 =	seq.s32 s10, $0x1;
	s10 =	sld [smem:$0x3F8E];
	_ =	sdelay $0x3  }
0x37: {  	[smem:$0x3F8E] =	sst s10  }
0x38: {  	s10 =	sld [smem:$0x3F8F]  }
0x39: {  	_ = 	snop;
	(pc) =	sbr.ind lr, $3  }
0x3a: {  	_ = 	snop  }
0x3b: {  	_ = 	snop  }
0x3c: {  	p2 =	seq.s32 s10, $0x1;
	s10 =	sld [smem:$0x3F8E]  }
0x3d: {  	_ =	shalt  }
0x3e: {  	_ =	shalt  }
0x3f: {  	_ =	shalt  }
0x40: {  	_ =	shalt  }
0x41: {  	_ =	shalt  }
0x42: {  	_ =	shalt  }
0x43: {  	_ =	shalt  }
0x44: {  	_ =	shalt  }
0x45: {  	_ =	shalt  }
0x46: {  	_ =	shalt  }
0x47: {  	_ =	shalt  }
0x48: {  	_ =	shalt  }
0x49: {  	_ =	shalt  }
0x4a: {  	_ =	shalt  }
0x4b: {  	_ =	shalt  }
0x4c: {  	_ =	shalt  }
0x4d: {  	_ =	shalt  }
0x4e: {  	_ =	shalt  }
0x4f: {  	_ =	shalt  }
0x50: {  	_ =	shalt  }
0x51: {  	_ =	shalt  }
0x52: {  	_ =	shalt  }
0x53: {  	_ =	shalt  }
0x54: {  	_ =	shalt  }
0x55: {  	_ =	shalt  }
0x56: {  	_ =	shalt  }
0x57: {  	_ =	shalt  }
0x58: {  	_ =	shalt  }
0x59: {  	_ =	shalt  }
0x5a: {  	_ =	shalt  }
0x5b: {  	_ =	shalt  }
0x5c: {  	_ =	shalt  }
0x5d: {  	_ =	shalt  }
0x5e: {  	_ =	shalt  }
0x5f: {  	_ =	shalt  }
0x60: {  	_ =	shalt  }
0x61: {  	_ =	shalt  }
0x62: {  	_ =	shalt  }
0x63: {  	_ =	shalt  }
0x64: {  	_ =	shalt  }
0x65: {  	_ =	shalt  }
0x66: {  	_ =	shalt  }
0x67: {  	_ =	shalt  }
0x68: {  	_ =	shalt  }
0x69: {  	_ =	shalt  }
0x6a: {  	_ =	shalt  }
0x6b: {  	_ =	shalt  }
0x6c: {  	_ =	shalt  }
0x6d: {  	_ =	shalt  }
0x6e: {  	_ =	shalt  }
0x6f: {  	_ =	shalt  }
0x70: {  	_ =	shalt  }
0x71: {  	_ =	shalt  }
0x72: {  	_ =	shalt  }
0x73: {  	_ =	shalt  }
0x74: {  	_ =	shalt  }
0x75: {  	_ =	shalt  }
0x76: {  	_ =	shalt  }
0x77: {  	_ =	shalt  }
0x78: {  	_ =	shalt  }
0x79: {  	_ =	shalt  }
0x7a: {  	_ =	shalt  }
0x7b: {  	_ =	shalt  }
0x7c: {  	_ =	shalt  }
0x7d: {  	_ =	shalt  }
0x7e: {  	_ =	shalt  }
0x7f: {  	_ =	shalt  }
0x80: {  	_ =	shalt  }
0x81: {  	_ =	shalt  }
0x82: {  	_ =	shalt  }
0x83: {  	_ =	shalt  }
0x84: {  	_ =	shalt  }
0x85: {  	_ =	shalt  }
0x86: {  	_ =	shalt  }
0x87: {  	_ =	shalt  }
.Lfunc_end0:
.L_simem_size_0:
called_computation.3_lowered:
.L_overlay_start_0:
0x88: {  	s2 =	sld [smem:$0x3FD9]  }
0x89: {  	s3 =	sld [smem:$0x3FFE];
	_ =	sdelay $0x1  }
0x8a: {  	s1 =	srdreg.scid  }
0x8b: {  	s0 =	sand.u32 $0x1, s1  }
0x8c: {  	s16 =	sshll.u32 s0, $0xA;
	s2 =	sadd.s32 s3, s2  }
0x8d: {  	s2 =	sadd.s32 s2, s16  }
0x8e: {  	[smem:$0x3F9A] =	sst s2  }
0x8f: {  	_ = 	snop  }
0x90: {  	(tm) =	ssettm $0x1  }
0x91: {  	s17 =	sld [smem:$0x3FFB];
	_ =	sdelay $0x3  }
0x92: {  	_ =	strace s17  }
0x93: {  	s2 =	sld [smem:$0x3FFC];
	_ =	sdelay $0x3  }
0x94: {  	_ =	strace s2  }
0x95: {  	s2 =	sld [smem:$0x3FFD];
	_ =	sdelay $0x3  }
0x96: {  	_ =	strace s2  }
0x97: {  	_ =	strace $0x8FFFFFFF  }
0x98: {  	s18 =	sld [smem:$0x3FDB];
	_ =	sdelay $0x1  }
0x99: {  	s19 =	simm.s32 $_scs_section_size  }
0x9a: {  	s4 =	simm.s32 $_size__tile_overlayer_lowered;
	s5 =	simm.s32 $_tile_overlayer_lowered  }
0x9b: {  	s22 =	simm.s32 $0x1BFF;
	s21 =	sshll.u32 s5, $0x1;
	s2 =	sadd.s32 s19, s18  }
0x9c: {  	s6 =	simm.s32 $0x0;
	s20 =	sshll.u32 s4, $0x1;
	s4 =	sadd.s32 s21, s2  }
0x9d: {  	[timem:s6], [sflag:s22] =	dma.local [hbm:s4], s20  }
0x9e: {  	_ =	swait.ge [sflag:s22], s20  }
0x9f: {  	s3 =	ssub.s32 $0x0, s20;
	[sflag:s22] =	ssyncset.done $0x0  }
0xa0: {  	[sflag:s22] =	ssyncadd.s32 s3;
	_ =	sdelay $0x1  }
0xa1: {  	s23 =	simm.s32 $0x1B8B  }
0xa2: {  	_ =	swait.ge [sflag:s23], $0x1  }
0xa3: {  	[sflag:s23] =	ssyncset.done $0x0  }
0xa4: {  	s25 =	simm.s32 $0x1B8E;
	s24 =	sld [smem:$0x3FFE];
	[sflag:s23] =	ssyncadd.s32 $0xFFFFFFFF  }
0xa5: {  	s26 =	simm.s32 $execute0_lowered;
	[smem:$0x3FD2] =	sst s25  }
0xa6: {  	s4 =	sshll.u32 s26, $0x1;
	_ =	strace $0x8000004F;
	[dreg:$0x1] =	wrdreg $0xFFFFFFFF  }
0xa7: {  	s28 =	simm.s32 $_size_execute0_lowered;
	s2 =	sadd.s32 s2, s4;
	[dreg:$0x0] =	wrdreg $0x0  }
0xa8: {  	s4 =	sshll.u32 s28, $0x1;
	[dreg:$0x2] =	wrdreg s2  }
0xa9: {  	[dreg:$0x3] =	wrdreg s4  }
0xaa: {  	[dreg:$0x4] =	wrdreg $0xC0  }
0xab: {  	_ =	task [dreg:s6], $0x5FFFF  }
0xac: {  	[dreg:$0x1] =	wrdreg $0xFFFFFFFF  }
0xad: {  	[dreg:$0x0] =	wrdreg $0x60  }
0xae: {  	[dreg:$0x2] =	wrdreg s24  }
0xaf: {  	[dreg:$0x3] =	wrdreg $0x154000  }
0xb0: {  	[dreg:$0x4] =	wrdreg $0x9  }
0xb1: {  	_ =	task.clear_ibuf [dreg:s6], $0x5FFFF;
	_ =	strace $0x9000004F  }
0xb2: {  	s29 =	simm.s32 $0x9;
	_ =	strace $0x80000051  }
0xb3: {  	_ =	swait.ge [sflag:s29], $0x1  }
0xb4: {  	[sflag:s29] =	ssyncadd.s32 $0xFFFFFFFF  }
0xb5: {  	_ =	strace $0x90000051  }
0xb6: {  	_ =	sfence  }
0xb7: {  	s30 =	sld [smem:$0x0];
	_ =	sdelay $0x2  }
0xb8: {  	s31 =	sshll.u32 s1, $0xD;
	s1 =	sshrl.u32 s1, $0x2  }
0xb9: {  	s3 =	sand.u32 $0x4000, s31;
	s1 =	sadd.s32 s1, s30  }
0xba: {  	s0 =	sor.u32 s3, s0;
	s1 =	sshll.u32 s1, $0x11  }
0xbb: {  	s0 =	sor.u32 s1, s0  }
0xbc: {  	s0 =	sadd.s32 $0x8F2B, s0  }
0xbd: {  	[sflag:s0] =	ssyncadd.remote.s32 $0x1  }
0xbe: {  	_ =	sfence.sel $0xFFFF  }
0xbf: {  	[dreg:$0x0] =	wrdreg $0xFFFFFFFF;
	(pc) =	sbr.abs _section_cstart, $3  }
0xc0: {  	[dreg:$0x1] =	wrdreg $0xFFFFFFFF  }
0xc1: {  	_ =	task.clear_ibuf [dreg:s6], $0x2FFFF;
	_ =	strace $0x9FFFFFFF  }
0xc2: {  	(tm) =	ssettm $0x7FFFFFFF  }
0xc3: {  	_ =	shalt  }
tec
execute0_lowered:
.L_overlay_start_1:
0x0: {  	(tag) =	ssettag $0x1  }
0x1: {  	s1 =	srdreg.scid;
	s6 =	rddreg [dreg:$0x0]  }
0x2: {  	s0 =	stileid.u32;
	s2 =	rddreg [dreg:$0x1]  }
0x3: {  	s3 =	simm.s32 $0x0;
	s14 =	simm.s32 $0x0;
	s8 =	smul.u32 $0x500, s0  }
0x4: {  	s5 =	sand.u32 $0x1, s1;
	s29 =	sshll.u32 s0, $0x1;
	s30 =	smul.u32 $0xA000, s0  }
0x5: {  	[smem:$0x7FF] =	sst s3;
	s1 =	sor.u32 s5, s29;
	s9 =	smul.u32 $0x5000, s5  }
0x6: {  	s11 =	sshll.u32 s0, $0x6;
	s5 =	ssub.s32 $0x2, s5;
	s4 =	smul.u32 $0x2800, s1  }
0x7: {  	s7 =	smul.u32 $0x280, s1;
	s1 =	rddreg [dreg:$0x2];
	_ =	strace $0x80000050  }
0x8: {  	s31 =	sshrl.u32 s5, $0x1;
	s8 =	sadd.s32 s8, s9;
	s9 =	sshrl.u32 s30, $0x2  }
0x9: {  	s12 =	ssub.s32 s5, s31;
	s5 =	sor.u32 $0x1C02, s11;
	s11 =	simm.s32 $0x2  }
0xa: {  	s10 =	sadd.s32 s4, s6;
	s7 =	sadd.s32 s7, s6;
	s4 =	sadd.s32 $0x2F800, s6  }
0xb: {  	s8 =	sadd.s32 s8, s6;
	s13 =	sadd.s32 s9, s2;
	s9 =	smax.u32 s12, $0x1  }
0xc: {  	s12 =	simm.s32 $0x80;
	s6 =	sadd.s32 $0x89800, s7;
	s7 =	sadd.s32 $0x2FE00, s10  }
0xd: {  	s8 =	sadd.s32 $0x8E800, s8;
	s10 =	sshrl.u32 s13, $0x3;
	s13 =	simm.s32 $0x1  }
.LBB2_1:
0xe: {  	[spmem:s10], [sflag:s5] =	dma.local [hbm:s4], $0x500  }
0xf: {  	_ =	swait.ge [sflag:s11], $0x500  }
0x10: {  	[sflag:s11] =	ssyncset.done $0x0  }
0x11: {  	[sflag:s11] =	ssyncadd.s32 $0xFFFFFB00  }
0x12: {  	[tilespmem:s3], [sflag:$0x2] =	stream.linear.gather [hbm4b:s6+s3], $0x1400, $0x38;
	[tilespmem:$0x17C00] =	vst v63  }
0x13: {  	_ =	swait.ge [sflag:s11], $0x1400  }
0x14: {  	[sflag:s11] =	ssyncset.done $0x0  }
0x15: {  	s15 =	simm.s32 $0x1400;
	[sflag:s11] =	ssyncadd.s32 $0xFFFFEC00  }
0x16: {  	[tilespmem:s15], [sflag:$0x2] =	stream.linear.gather [hbm4b:s7+s3], $0x14000, $0x38;
	[tilespmem:$0x17C00] =	vst v63  }
0x17: {  	_ =	swait.ge [sflag:s11], $0x14000  }
0x18: {  	[sflag:s11] =	ssyncset.done $0x0  }
0x19: {  	s16 =	simm.s32 $0x200;
	[sflag:s11] =	ssyncadd.s32 $0xFFFEC000  }
0x1a: {  	s18 =	simm.s32 $0x0;
	s17 =	simm.s32 $0x1C00;
	[bflag:$0x0] =	sbarrier.arrive $0xFFFF  }
.LBB2_2:
0x1b: {  	[spmem:s2] =	stream.indirect.scatter.add.f32 [tilespmem:s15], [sflag:$0x1], $0x10, s18, s12, $0xb8;
	[tilespmem:$0x17C00] =	vst v63  }
0x1c: {  	s18 =	smov.u32 s16;
	s15 =	smov.u32 s17;
	p0 =	sne.s32 s16, $0x4E00  }
.Ltmp0:
0x1d: {  	s16 =	sadd.s32 $0x200, s16;
	(pc) =	sbr.rel @p0 .LBB2_2-.Ltmp0, $2  }
0x1e: {  	_ =	sdelay $0x2  }
0x1f: {  	s17 =	sadd.s32 $0x800, s17;
	s18 =	sshra.s32 s18, $0x2  }
0x20: {  	[spmem:s2] =	stream.indirect.scatter.add.f32 [tilespmem:s15], [sflag:$0x1], $0x10, s18, s12, $0xb8;
	[tilespmem:$0x17C00] =	vst v63  }
0x21: {  	_ =	swait.ge [sflag:s13], $0x14000  }
0x22: {  	s14 =	sadd.s32 $0x1, s14;
	[sflag:s13] =	ssyncset.done $0x0  }
0x23: {  	p0 =	sne.s32 s14, s9;
	[sflag:s13] =	ssyncadd.s32 $0xFFFEC000  }
.Ltmp1:
0x24: {  	[bflag:$0x0] =	sbarrier.arrive $0xFFFF;
	(pc) =	sbr.rel @p0 .LBB2_1-.Ltmp1, $4  }
0x25: {  	[hbm:s8], [sflag:s5] =	dma.local [spmem:s10], $0x500  }
0x26: {  	_ =	swait.ge [sflag:s11], $0x500  }
0x27: {  	[sflag:s11] =	ssyncset.done $0x0  }
0x28: {  	[sflag:s11] =	ssyncadd.s32 $0xFFFFFB00  }
0x29: {  	_ =	sfence.sel $0x180000  }
0x2a: {  	[bflag:$0x0] =	sbarrier.arrive $0xFFFF  }
0x2b: {  	p0 =	sne.s32 s0, $0x0;
	_ =	strace $0x90000050  }
0x2c: {  	s0 =	sadd.s32 @!p0 $0x100000, s1;
	[bflag:$0x2] =	sbarrier.arrive $0xFFFF  }
0x2d: {  	[sflag:s0] =	ssyncadd.tile.s32 @!p0 $0x1;
	_ =	shalt  }
.Lfunc_end2:
_tile_overlayer_lowered:
.L_overlay_start_2:
0x2e: {  	(tag) =	ssettag $0x2  }
0x2f: {  	s0 =	rddreg [dreg:$0x0];
	s2 =	stileid.u32  }
0x30: {  	s1 =	rddreg [dreg:$0x1];
	p0 =	sne.s32 s2, $0x0  }
0x31: {  	s3 =	rddreg [dreg:$0x2];
	[bflag:$0x3] =	sbarrier.arrive $0xFFFF;
	s2 =	simm.s32 @!p0 $0x1C02  }
0x32: {  	[timem:s3], [sflag:s2] =	dma.local @!p0 [hbm:s0], s1  }
0x33: {  	s0 =	simm.s32 @!p0 $0x2  }
0x34: {  	_ =	swait.ge @!p0 [sflag:s0], s1  }
0x35: {  	s1 =	ssub.s32 @!p0 $0x0, s1;
	[sflag:s0] =	ssyncset.done @!p0 $0x0  }
0x36: {  	[sflag:s0] =	ssyncadd.s32 @!p0 s1  }
0x37: {  	[bflag:$0x3] =	sbarrier.arrive $0xFFFF  }
0x38: {  	_ =	shalt  }

</sc_bundles>
